<compile_context>
chip_gen: v7x
topology: tpu7x:2x2x1
jax: 0.10.2.dev20260603
libtpu: 0.0.44.dev20260713+nightly
codegen_flags: <defaults>
</compile_context>

<pallas_src>
import functools

import numpy as np
import jax
import jax.numpy as jnp
from jax import lax
from jax.experimental import pallas as pl
from jax.experimental.pallas import tpu as pltpu
from jax.experimental.pallas import tpu_sc as plsc

POOL = 7
NBIN = POOL * POOL
CH = 256
SIZES = (112, 56, 28, 14)
ROW_BASE = (0, 112 * 112, 112 * 112 + 56 * 56, 112 * 112 + 56 * 56 + 28 * 28)
TOTAL_ROWS = sum(s * s for s in SIZES)
NROI = 512
OUT_D = NBIN * CH
NWORK = 32
RPW = NROI // NWORK
PIDX = 56


def _prep_body(rois_ref, pair_ref, i0, i1, i2, i3, w0, w1, w2, w3):
    rois = rois_ref[...]
    pair2 = pair_ref[:, 2:3]
    col = lax.broadcasted_iota(jnp.int32, (NROI, NROI), 1)
    onehot = (pair2 == col).astype(jnp.float32)
    x1 = jnp.sum(onehot * rois[:, 1][None, :], axis=1, keepdims=True)
    y1 = jnp.sum(onehot * rois[:, 2][None, :], axis=1, keepdims=True)
    x2 = jnp.sum(onehot * rois[:, 3][None, :], axis=1, keepdims=True)
    y2 = jnp.sum(onehot * rois[:, 4][None, :], axis=1, keepdims=True)
    ws = x2 - x1
    hs = y2 - y1
    scale = jnp.sqrt(jnp.maximum(ws * hs, 1.0))
    z = scale / 56.0 + 1e-6
    lvl = ((z >= 2.0).astype(jnp.int32) + (z >= 4.0).astype(jnp.int32)
           + (z >= 8.0).astype(jnp.int32))
    stride = (jnp.int32(4) << lvl).astype(jnp.float32)
    wl = jnp.int32(112) >> lvl
    wf = wl.astype(jnp.float32)
    base = jnp.where(lvl == 0, ROW_BASE[0],
                     jnp.where(lvl == 1, ROW_BASE[1],
                               jnp.where(lvl == 2, ROW_BASE[2], ROW_BASE[3])))
    x1s = x1 / stride
    y1s = y1 / stride
    x2s = x2 / stride
    y2s = y2 / stride
    bw = jnp.maximum(x2s - x1s, 1.0) / POOL
    bh = jnp.maximum(y2s - y1s, 1.0) / POOL
    sidx = lax.broadcasted_iota(jnp.int32, (1, NBIN), 1)
    qv = (sidx % POOL).astype(jnp.float32) + 0.5
    pv = (sidx // POOL).astype(jnp.float32) + 0.5
    xs = x1s + qv * bw
    ys = y1s + pv * bh
    xf = jnp.floor(xs)
    yf = jnp.floor(ys)
    wx = xs - xf
    wy = ys - yf
    x0i = jnp.clip(xf, 0.0, wf - 1.0).astype(jnp.int32)
    x1i = jnp.clip(xf + 1.0, 0.0, wf - 1.0).astype(jnp.int32)
    y0i = jnp.clip(yf, 0.0, wf - 1.0).astype(jnp.int32)
    y1i = jnp.clip(yf + 1.0, 0.0, wf - 1.0).astype(jnp.int32)
    i0[...] = base + y0i * wl + x0i
    i1[...] = base + y0i * wl + x1i
    i2[...] = base + y1i * wl + x0i
    i3[...] = base + y1i * wl + x1i
    w0[...] = (1.0 - wx) * (1.0 - wy)
    w1[...] = wx * (1.0 - wy)
    w2[...] = (1.0 - wx) * wy
    w3[...] = wx * wy


def _prep(rois, pair_rois):
    shp_i = jax.ShapeDtypeStruct((NROI, NBIN), jnp.int32)
    shp_f = jax.ShapeDtypeStruct((NROI, NBIN), jnp.float32)
    return pl.pallas_call(
        _prep_body,
        out_shape=[shp_i, shp_i, shp_i, shp_i, shp_f, shp_f, shp_f, shp_f],
    )(rois, pair_rois)


def _make_sc_kernel():
    mesh = plsc.VectorSubcoreMesh(core_axis_name="c", subcore_axis_name="s")

    @functools.partial(
        pl.kernel,
        mesh=mesh,
        compiler_params=pltpu.CompilerParams(needs_layout_passes=False),
        out_type=jax.ShapeDtypeStruct((NROI, OUT_D), jnp.float32),
        scratch_types=[
            pltpu.VMEM((RPW, 4, PIDX), jnp.int32),
            pltpu.VMEM((4 * NBIN, 16), jnp.float32),
            pltpu.VMEM((4, PIDX, CH), jnp.float32),
            pltpu.VMEM((OUT_D,), jnp.float32),
            pltpu.SemaphoreType.DMA,
        ],
    )
    def sc_kernel(table_hbm, idx_hbm, wts_hbm, out_hbm,
                  idx_v, wroi_v, rows_v, orow_v, sem):
        wid = lax.axis_index("s") * 2 + lax.axis_index("c")
        base = wid * RPW
        pltpu.sync_copy(idx_hbm.at[pl.ds(base, RPW)], idx_v)
        lane49 = lax.iota(jnp.int32, 16) * NBIN

        def roi_body(r, carry):
            pltpu.sync_copy(wts_hbm.at[base + r], wroi_v)
            cps = [pltpu.async_copy(table_hbm.at[idx_v.at[r, k]],
                                    rows_v.at[k], sem) for k in range(4)]
            for cp in cps:
                cp.wait()

            def pt_body(s, c2):
                wsp = [wroi_v[k * NBIN + s] for k in range(4)]
                for cc in range(CH // 16):
                    acc = wsp[0] * rows_v[0, s, pl.ds(cc * 16, 16)]
                    acc = acc + wsp[1] * rows_v[1, s, pl.ds(cc * 16, 16)]
                    acc = acc + wsp[2] * rows_v[2, s, pl.ds(cc * 16, 16)]
                    acc = acc + wsp[3] * rows_v[3, s, pl.ds(cc * 16, 16)]
                    plsc.store_scatter(orow_v,
                                       [lane49 + (s + cc * 16 * NBIN)], acc)
                return c2

            lax.fori_loop(0, NBIN, pt_body, 0)
            pltpu.sync_copy(orow_v, out_hbm.at[base + r])
            return carry

        lax.fori_loop(0, RPW, roi_body, 0)

    return sc_kernel


_sc_cache = []


def _sc_kernel(table, idx_all, wts_all):
    if not _sc_cache:
        _sc_cache.append(_make_sc_kernel())
    return _sc_cache[0](table, idx_all, wts_all)


def kernel(rois1_feature, rois, pair_rois, feat0, feat1, feat2, feat3):
    del rois1_feature
    i0, i1, i2, i3, w0, w1, w2, w3 = _prep(rois, pair_rois)
    idx_all = jnp.concatenate([
        jnp.stack([i0, i1, i2, i3], axis=1),
        jnp.zeros((NROI, 4, PIDX - NBIN), jnp.int32),
    ], axis=2)
    wts_all = jnp.broadcast_to(
        jnp.stack([w0, w1, w2, w3], axis=1).reshape(NROI, 4 * NBIN)[:, :, None],
        (NROI, 4 * NBIN, 16))
    table = jnp.concatenate([
        feat0.reshape(CH, -1).T,
        feat1.reshape(CH, -1).T,
        feat2.reshape(CH, -1).T,
        feat3.reshape(CH, -1).T,
    ], axis=0)
    return _sc_kernel(table, idx_all, wts_all)

# --- scband reference (transcript-rebuilt; emitter-appended) ---
"""Pipeline reference for scband-ibbase-conv-76922864271962 (READ-ONLY COPY).

The authoritative reference and input builder live on the scoring server;
editing this copy changes nothing except your own understanding.
"""

import jax, jax.numpy as jnp
import numpy as np

POOL_SIZE = 7
INPLANES = 256
BASE_SCALE = 56.0
STRIDES = (4.0, 8.0, 16.0, 32.0)
NUM_LEVELS = 4


def _bilinear_sample(feat, xs, ys):
    # feat: [C, H, W]; xs, ys: scalar float coords in feature-map units
    C, H, W = feat.shape
    x0 = jnp.floor(xs)
    y0 = jnp.floor(ys)
    x1 = x0 + 1.0
    y1 = y0 + 1.0
    wx1 = xs - x0
    wy1 = ys - y0
    x0i = jnp.clip(x0, 0, W - 1).astype(jnp.int32)
    x1i = jnp.clip(x1, 0, W - 1).astype(jnp.int32)
    y0i = jnp.clip(y0, 0, H - 1).astype(jnp.int32)
    y1i = jnp.clip(y1, 0, H - 1).astype(jnp.int32)
    v00 = feat[:, y0i, x0i]
    v01 = feat[:, y0i, x1i]
    v10 = feat[:, y1i, x0i]
    v11 = feat[:, y1i, x1i]
    top = (1.0 - wx1) * v00 + wx1 * v01
    bot = (1.0 - wx1) * v10 + wx1 * v11
    return (1.0 - wy1) * top + wy1 * bot


def _roi_pool_one(feat, roi, stride):
    # RoIAlign-style pooling: one bilinear sample at each bin center.
    x1 = roi[1] / stride
    y1 = roi[2] / stride
    x2 = roi[3] / stride
    y2 = roi[4] / stride
    bw = jnp.maximum(x2 - x1, 1.0) / POOL_SIZE
    bh = jnp.maximum(y2 - y1, 1.0) / POOL_SIZE
    jx = x1 + (jnp.arange(POOL_SIZE, dtype=jnp.float32) + 0.5) * bw
    jy = y1 + (jnp.arange(POOL_SIZE, dtype=jnp.float32) + 0.5) * bh
    gx, gy = jnp.meshgrid(jx, jy)
    samp = jax.vmap(jax.vmap(lambda xx, yy: _bilinear_sample(feat, xx, yy)))(gx, gy)  # [P, P, C]
    return jnp.transpose(samp, (2, 0, 1))  # [C, P, P]


def _forward(rois1_feature, rois, pair_rois, feats):
    # gather source boxes via pair_rois[:, 2]
    tmp_rois = rois[pair_rois[:, 2]]
    # map_rois_to_level: assign each roi to an FPN level by its scale
    ws = tmp_rois[:, 3] - tmp_rois[:, 1]
    hs = tmp_rois[:, 4] - tmp_rois[:, 2]
    scale = jnp.sqrt(jnp.maximum(ws * hs, 1.0))
    lvl = jnp.clip(jnp.floor(jnp.log2(scale / BASE_SCALE + 1e-6)), 0, NUM_LEVELS - 1).astype(jnp.int32)
    # mlvl_predict: pool every roi on every level, then select by assigned level
    pooled_levels = []
    for f, s in zip(feats, STRIDES):
        pooled_levels.append(jax.vmap(lambda r, f=f, s=s: _roi_pool_one(f, r, s))(tmp_rois))
    stacked = jnp.stack(pooled_levels, axis=1)  # [N, L, C, P, P]
    onehot = jax.nn.one_hot(lvl, NUM_LEVELS, dtype=stacked.dtype)
    pooled = jnp.einsum('nl,nlcpq->ncpq', onehot, stacked)  # recover_inds: order preserved
    pred = pooled.reshape(pooled.shape[0], -1)  # [N, C*P*P]
    # scatter-overwrite into the zero-initialized memory rois2_feature
    rois2_feature = jnp.zeros_like(rois1_feature)
    row_idx = jnp.arange(pair_rois.shape[0])
    rois2_feature = rois2_feature.at[row_idx].set(pred)
    return rois2_feature


def setup_inputs(seed: int = 0):
    key = jax.random.key(seed)
    ks = jax.random.split(key, 12)
    N = 512
    img = 448.0
    rois1_feature = jax.random.normal(ks[0], (N, POOL_SIZE * POOL_SIZE * INPLANES), dtype=jnp.float32)
    cx = jax.random.uniform(ks[1], (N,), minval=64.0, maxval=img - 64.0)
    cy = jax.random.uniform(ks[2], (N,), minval=64.0, maxval=img - 64.0)
    w = jax.random.uniform(ks[3], (N,), minval=16.0, maxval=224.0)
    h = jax.random.uniform(ks[4], (N,), minval=16.0, maxval=224.0)
    x1 = jnp.clip(cx - w / 2.0, 0.0, img - 2.0)
    y1 = jnp.clip(cy - h / 2.0, 0.0, img - 2.0)
    x2 = jnp.clip(cx + w / 2.0, x1 + 1.0, img)
    y2 = jnp.clip(cy + h / 2.0, y1 + 1.0, img)
    rois = jnp.stack([jnp.zeros((N,)), x1, y1, x2, y2], axis=1).astype(jnp.float32)
    pair0 = jnp.zeros((N,), dtype=jnp.int32)
    pair1 = jnp.sort(jax.random.randint(ks[5], (N,), 0, 64, dtype=jnp.int32))
    pair2 = jax.random.randint(ks[6], (N,), 0, N, dtype=jnp.int32)
    pair_rois = jnp.stack([pair0, pair1, pair2], axis=1)
    feat0 = jax.random.normal(ks[7], (1, INPLANES, 112, 112), dtype=jnp.float32)
    feat1 = jax.random.normal(ks[8], (1, INPLANES, 56, 56), dtype=jnp.float32)
    feat2 = jax.random.normal(ks[9], (1, INPLANES, 28, 28), dtype=jnp.float32)
    feat3 = jax.random.normal(ks[10], (1, INPLANES, 14, 14), dtype=jnp.float32)
    return {"rois1_feature": rois1_feature, "rois": rois, "pair_rois": pair_rois,
            "feat0": feat0, "feat1": feat1, "feat2": feat2, "feat3": feat3}


def reference(rois1_feature, rois, pair_rois, feat0, feat1, feat2, feat3):
    feats = [feat0[0], feat1[0], feat2[0], feat3[0]]
    return _forward(rois1_feature, rois, pair_rois, feats)

if __name__ == "__main__":
    import jax
    _d = setup_inputs()
    print(jax.jit(kernel)(*tuple(_d.values())))

</pallas_src>

<mosaic_0001>
#map = affine_map<(d0, d1) -> (0, 0)>
#map1 = affine_map<(d0, d1) -> (0, 0, 0)>
module attributes {stable_mosaic.version = 14 : i64} {
  func.func @sc_kernel(%arg0: i32, %arg1: i32, %arg2: memref<16660x256xf32, #tpu.memory_space<hbm>>, %arg3: memref<512x4x56xi32, #tpu.memory_space<hbm>>, %arg4: memref<512x196x16xf32, #tpu.memory_space<hbm>>, %arg5: memref<512x12544xf32, #tpu.memory_space<hbm>>, %arg6: memref<16x4x56xi32, #tpu.memory_space<vmem>>, %arg7: memref<196x16xf32, #tpu.memory_space<vmem>>, %arg8: memref<4x56x256xf32, #tpu.memory_space<vmem>>, %arg9: memref<12544xf32, #tpu.memory_space<vmem>>, %arg10: memref<!tpu.dma_semaphore, #tpu.memory_space<semaphore_mem>>) attributes {dimension_semantics = [#tpu.dimension_semantics<core_parallel>, #tpu.dimension_semantics<subcore_parallel>], iteration_bounds = array<i64: 2, 16>, scalar_prefetch = 0 : i64, scratch_operands = 5 : i64, tpu.core_type = #tpu.core_type<sc_vector_subcore>, window_params = [{transform_indices = #map}, {transform_indices = #map1}, {transform_indices = #map1}, {transform_indices = #map}]} {
    %mul3A = arith.constant 2 : i32
    %mul3A_0 = arith.muli %arg1, %mul3A : i32
    %add3A = arith.addi %mul3A_0, %arg0 : i32
    %mul3A_1 = arith.constant 16 : i32
    %mul3A_2 = arith.muli %add3A, %mul3A_1 : i32
    "tpu.region"() ({
      %run_scoped3A = tpu.sem_alloc : memref<!tpu.dma_semaphore, #tpu.memory_space<semaphore_mem>>
      %dma_start3A = arith.constant 0 : i32
      %dma_start3A_11 = arith.constant 0 : i32
      %dma_start3A_12 = tpu.memref_slice %arg3[%mul3A_2, %dma_start3A, %dma_start3A_11] : memref<512x4x56xi32, #tpu.memory_space<hbm>> -> memref<16x4x56xi32, #tpu.memory_space<hbm>>
      %dma_start3A_13 = arith.constant 0 : i32
      %dma_start3A_14 = arith.constant 0 : i32
      %dma_start3A_15 = tpu.memref_slice %arg3[%mul3A_2, %dma_start3A_13, %dma_start3A_14] : memref<512x4x56xi32, #tpu.memory_space<hbm>> -> memref<16x4x56xi32, #tpu.memory_space<hbm>>
      tpu.enqueue_dma source(%dma_start3A_15 : memref<16x4x56xi32, #tpu.memory_space<hbm>>) target(%arg6 : memref<16x4x56xi32, #tpu.memory_space<vmem>>) target_semaphore(%run_scoped3A : memref<!tpu.dma_semaphore, #tpu.memory_space<semaphore_mem>>)
      %dma_wait3A = arith.constant 0 : i32
      %dma_wait3A_16 = arith.constant 0 : i32
      %dma_wait3A_17 = tpu.memref_slice %arg3[%mul3A_2, %dma_wait3A, %dma_wait3A_16] : memref<512x4x56xi32, #tpu.memory_space<hbm>> -> memref<16x4x56xi32, #tpu.memory_space<hbm>>
      %dma_wait3A_18 = arith.constant 0 : i32
      %dma_wait3A_19 = arith.constant 0 : i32
      %dma_wait3A_20 = tpu.memref_slice %arg3[%mul3A_2, %dma_wait3A_18, %dma_wait3A_19] : memref<512x4x56xi32, #tpu.memory_space<hbm>> -> memref<16x4x56xi32, #tpu.memory_space<hbm>>
      tpu.wait_dma2 semaphore(%run_scoped3A : memref<!tpu.dma_semaphore, #tpu.memory_space<semaphore_mem>>) src(%dma_wait3A_20 : memref<16x4x56xi32, #tpu.memory_space<hbm>>) dst(%arg6 : memref<16x4x56xi32, #tpu.memory_space<vmem>>)
      tpu.yield
    }) : () -> ()
    %iota3A = tpu.iota {dimensions = array<i32: 0>} : vector<16xi32>
    %mul3A_3 = arith.constant 49 : i32
    %mul3A_4 = vector.broadcast %mul3A_3 : i32 to vector<16xi32>
    %mul3A_5 = arith.muli %iota3A, %mul3A_4 : vector<16xi32>
    %scan3A = arith.constant 0 : i32
    %scan3A_6 = arith.constant 0 : i32
    %scan3A_7 = arith.constant 16 : i32
    %scan3A_8 = arith.addi %scan3A_6, %scan3A_7 : i32
    %scan3A_9 = arith.constant 1 : i32
    scf.for %scan3A_11 = %scan3A_6 to %scan3A_8 step %scan3A_9  : i32 {
      %add3A_12 = arith.addi %mul3A_2, %scan3A_11 : i32
      "tpu.region"() ({
        %run_scoped3A = tpu.sem_alloc : memref<!tpu.dma_semaphore, #tpu.memory_space<semaphore_mem>>
        %dma_start3A_114 = arith.constant 0 : i32
        %dma_start3A_115 = arith.constant 0 : i32
        %dma_start3A_116 = tpu.memref_slice %arg4[%add3A_12, %dma_start3A_114, %dma_start3A_115] : memref<512x196x16xf32, #tpu.memory_space<hbm>> -> memref<1x196x16xf32, #tpu.memory_space<hbm>>
        %dma_start3A_117 = tpu.memref_squeeze %dma_start3A_116 : memref<1x196x16xf32, #tpu.memory_space<hbm>> -> memref<196x16xf32, #tpu.memory_space<hbm>>
        %dma_start3A_118 = arith.constant 0 : i32
        %dma_start3A_119 = arith.constant 0 : i32
        %dma_start3A_120 = tpu.memref_slice %arg4[%add3A_12, %dma_start3A_118, %dma_start3A_119] : memref<512x196x16xf32, #tpu.memory_space<hbm>> -> memref<1x196x16xf32, #tpu.memory_space<hbm>>
        %dma_start3A_121 = tpu.memref_squeeze %dma_start3A_120 : memref<1x196x16xf32, #tpu.memory_space<hbm>> -> memref<196x16xf32, #tpu.memory_space<hbm>>
        tpu.enqueue_dma source(%dma_start3A_121 : memref<196x16xf32, #tpu.memory_space<hbm>>) target(%arg7 : memref<196x16xf32, #tpu.memory_space<vmem>>) target_semaphore(%run_scoped3A : memref<!tpu.dma_semaphore, #tpu.memory_space<semaphore_mem>>)
        %dma_wait3A_122 = arith.constant 0 : i32
        %dma_wait3A_123 = arith.constant 0 : i32
        %dma_wait3A_124 = tpu.memref_slice %arg4[%add3A_12, %dma_wait3A_122, %dma_wait3A_123] : memref<512x196x16xf32, #tpu.memory_space<hbm>> -> memref<1x196x16xf32, #tpu.memory_space<hbm>>
        %dma_wait3A_125 = tpu.memref_squeeze %dma_wait3A_124 : memref<1x196x16xf32, #tpu.memory_space<hbm>> -> memref<196x16xf32, #tpu.memory_space<hbm>>
        %dma_wait3A_126 = arith.constant 0 : i32
        %dma_wait3A_127 = arith.constant 0 : i32
        %dma_wait3A_128 = tpu.memref_slice %arg4[%add3A_12, %dma_wait3A_126, %dma_wait3A_127] : memref<512x196x16xf32, #tpu.memory_space<hbm>> -> memref<1x196x16xf32, #tpu.memory_space<hbm>>
        %dma_wait3A_129 = tpu.memref_squeeze %dma_wait3A_128 : memref<1x196x16xf32, #tpu.memory_space<hbm>> -> memref<196x16xf32, #tpu.memory_space<hbm>>
        tpu.wait_dma2 semaphore(%run_scoped3A : memref<!tpu.dma_semaphore, #tpu.memory_space<semaphore_mem>>) src(%dma_wait3A_129 : memref<196x16xf32, #tpu.memory_space<hbm>>) dst(%arg7 : memref<196x16xf32, #tpu.memory_space<vmem>>)
        tpu.yield
      }) : () -> ()
      %dma_start3A = arith.constant 0 : i32
      %dma_start3A_13 = arith.constant 0 : i32
      %dma_start3A_14 = arith.constant 0 : i32
      %dma_start3A_15 = arith.constant 0 : i32
      %dma_start3A_16 = tpu.memref_slice %arg8[%dma_start3A_13, %dma_start3A_14, %dma_start3A_15] : memref<4x56x256xf32, #tpu.memory_space<vmem>> -> memref<1x56x256xf32, #tpu.memory_space<vmem>>
      %dma_start3A_17 = tpu.memref_squeeze %dma_start3A_16 : memref<1x56x256xf32, #tpu.memory_space<vmem>> -> memref<56x256xf32, #tpu.memory_space<vmem>>
      %dma_start3A_18 = arith.constant 0 : i32
      %dma_start3A_19 = tpu.memref_slice %arg6[%scan3A_11, %dma_start3A, %dma_start3A_18] : memref<16x4x56xi32, #tpu.memory_space<vmem>> -> memref<1x1x56xi32, #tpu.memory_space<vmem>>
      %dma_start3A_20 = tpu.memref_squeeze %dma_start3A_19 : memref<1x1x56xi32, #tpu.memory_space<vmem>> -> memref<56xi32, #tpu.memory_space<vmem>>
      %dma_start3A_21 = arith.constant 0 : i32
      %dma_start3A_22 = arith.constant 0 : i32
      %dma_start3A_23 = tpu.memref_slice %arg2[%dma_start3A_21, %dma_start3A_22] : memref<16660x256xf32, #tpu.memory_space<hbm>> -> memref<16660x256xf32, #tpu.memory_space<hbm>>
      tpu.enqueue_indirect_dma source(%dma_start3A_23 : memref<16660x256xf32, #tpu.memory_space<hbm>>) target(%dma_start3A_17 : memref<56x256xf32, #tpu.memory_space<vmem>>) offsets(%dma_start3A_20 : memref<56xi32, #tpu.memory_space<vmem>>) semaphore(%arg10 : memref<!tpu.dma_semaphore, #tpu.memory_space<semaphore_mem>>)
      %dma_start3A_24 = arith.constant 1 : i32
      %dma_start3A_25 = arith.constant 1 : i32
      %dma_start3A_26 = arith.constant 0 : i32
      %dma_start3A_27 = arith.constant 0 : i32
      %dma_start3A_28 = tpu.memref_slice %arg8[%dma_start3A_25, %dma_start3A_26, %dma_start3A_27] : memref<4x56x256xf32, #tpu.memory_space<vmem>> -> memref<1x56x256xf32, #tpu.memory_space<vmem>>
      %dma_start3A_29 = tpu.memref_squeeze %dma_start3A_28 : memref<1x56x256xf32, #tpu.memory_space<vmem>> -> memref<56x256xf32, #tpu.memory_space<vmem>>
      %dma_start3A_30 = arith.constant 0 : i32
      %dma_start3A_31 = tpu.memref_slice %arg6[%scan3A_11, %dma_start3A_24, %dma_start3A_30] : memref<16x4x56xi32, #tpu.memory_space<vmem>> -> memref<1x1x56xi32, #tpu.memory_space<vmem>>
      %dma_start3A_32 = tpu.memref_squeeze %dma_start3A_31 : memref<1x1x56xi32, #tpu.memory_space<vmem>> -> memref<56xi32, #tpu.memory_space<vmem>>
      %dma_start3A_33 = arith.constant 0 : i32
      %dma_start3A_34 = arith.constant 0 : i32
      %dma_start3A_35 = tpu.memref_slice %arg2[%dma_start3A_33, %dma_start3A_34] : memref<16660x256xf32, #tpu.memory_space<hbm>> -> memref<16660x256xf32, #tpu.memory_space<hbm>>
      tpu.enqueue_indirect_dma source(%dma_start3A_35 : memref<16660x256xf32, #tpu.memory_space<hbm>>) target(%dma_start3A_29 : memref<56x256xf32, #tpu.memory_space<vmem>>) offsets(%dma_start3A_32 : memref<56xi32, #tpu.memory_space<vmem>>) semaphore(%arg10 : memref<!tpu.dma_semaphore, #tpu.memory_space<semaphore_mem>>)
      %dma_start3A_36 = arith.constant 2 : i32
      %dma_start3A_37 = arith.constant 2 : i32
      %dma_start3A_38 = arith.constant 0 : i32
      %dma_start3A_39 = arith.constant 0 : i32
      %dma_start3A_40 = tpu.memref_slice %arg8[%dma_start3A_37, %dma_start3A_38, %dma_start3A_39] : memref<4x56x256xf32, #tpu.memory_space<vmem>> -> memref<1x56x256xf32, #tpu.memory_space<vmem>>
      %dma_start3A_41 = tpu.memref_squeeze %dma_start3A_40 : memref<1x56x256xf32, #tpu.memory_space<vmem>> -> memref<56x256xf32, #tpu.memory_space<vmem>>
      %dma_start3A_42 = arith.constant 0 : i32
      %dma_start3A_43 = tpu.memref_slice %arg6[%scan3A_11, %dma_start3A_36, %dma_start3A_42] : memref<16x4x56xi32, #tpu.memory_space<vmem>> -> memref<1x1x56xi32, #tpu.memory_space<vmem>>
      %dma_start3A_44 = tpu.memref_squeeze %dma_start3A_43 : memref<1x1x56xi32, #tpu.memory_space<vmem>> -> memref<56xi32, #tpu.memory_space<vmem>>
      %dma_start3A_45 = arith.constant 0 : i32
      %dma_start3A_46 = arith.constant 0 : i32
      %dma_start3A_47 = tpu.memref_slice %arg2[%dma_start3A_45, %dma_start3A_46] : memref<16660x256xf32, #tpu.memory_space<hbm>> -> memref<16660x256xf32, #tpu.memory_space<hbm>>
      tpu.enqueue_indirect_dma source(%dma_start3A_47 : memref<16660x256xf32, #tpu.memory_space<hbm>>) target(%dma_start3A_41 : memref<56x256xf32, #tpu.memory_space<vmem>>) offsets(%dma_start3A_44 : memref<56xi32, #tpu.memory_space<vmem>>) semaphore(%arg10 : memref<!tpu.dma_semaphore, #tpu.memory_space<semaphore_mem>>)
      %dma_start3A_48 = arith.constant 3 : i32
      %dma_start3A_49 = arith.constant 3 : i32
      %dma_start3A_50 = arith.constant 0 : i32
      %dma_start3A_51 = arith.constant 0 : i32
      %dma_start3A_52 = tpu.memref_slice %arg8[%dma_start3A_49, %dma_start3A_50, %dma_start3A_51] : memref<4x56x256xf32, #tpu.memory_space<vmem>> -> memref<1x56x256xf32, #tpu.memory_space<vmem>>
      %dma_start3A_53 = tpu.memref_squeeze %dma_start3A_52 : memref<1x56x256xf32, #tpu.memory_space<vmem>> -> memref<56x256xf32, #tpu.memory_space<vmem>>
      %dma_start3A_54 = arith.constant 0 : i32
      %dma_start3A_55 = tpu.memref_slice %arg6[%scan3A_11, %dma_start3A_48, %dma_start3A_54] : memref<16x4x56xi32, #tpu.memory_space<vmem>> -> memref<1x1x56xi32, #tpu.memory_space<vmem>>
      %dma_start3A_56 = tpu.memref_squeeze %dma_start3A_55 : memref<1x1x56xi32, #tpu.memory_space<vmem>> -> memref<56xi32, #tpu.memory_space<vmem>>
      %dma_start3A_57 = arith.constant 0 : i32
      %dma_start3A_58 = arith.constant 0 : i32
      %dma_start3A_59 = tpu.memref_slice %arg2[%dma_start3A_57, %dma_start3A_58] : memref<16660x256xf32, #tpu.memory_space<hbm>> -> memref<16660x256xf32, #tpu.memory_space<hbm>>
      tpu.enqueue_indirect_dma source(%dma_start3A_59 : memref<16660x256xf32, #tpu.memory_space<hbm>>) target(%dma_start3A_53 : memref<56x256xf32, #tpu.memory_space<vmem>>) offsets(%dma_start3A_56 : memref<56xi32, #tpu.memory_space<vmem>>) semaphore(%arg10 : memref<!tpu.dma_semaphore, #tpu.memory_space<semaphore_mem>>)
      %dma_wait3A = arith.constant 0 : i32
      %dma_wait3A_60 = arith.constant 0 : i32
      %dma_wait3A_61 = arith.constant 0 : i32
      %dma_wait3A_62 = arith.constant 0 : i32
      %dma_wait3A_63 = tpu.memref_slice %arg8[%dma_wait3A_60, %dma_wait3A_61, %dma_wait3A_62] : memref<4x56x256xf32, #tpu.memory_space<vmem>> -> memref<1x56x256xf32, #tpu.memory_space<vmem>>
      %dma_wait3A_64 = tpu.memref_squeeze %dma_wait3A_63 : memref<1x56x256xf32, #tpu.memory_space<vmem>> -> memref<56x256xf32, #tpu.memory_space<vmem>>
      %dma_wait3A_65 = arith.constant 0 : i32
      %dma_wait3A_66 = tpu.memref_slice %arg6[%scan3A_11, %dma_wait3A, %dma_wait3A_65] : memref<16x4x56xi32, #tpu.memory_space<vmem>> -> memref<1x1x56xi32, #tpu.memory_space<vmem>>
      %dma_wait3A_67 = tpu.memref_squeeze %dma_wait3A_66 : memref<1x1x56xi32, #tpu.memory_space<vmem>> -> memref<56xi32, #tpu.memory_space<vmem>>
      %dma_wait3A_68 = arith.constant 0 : i32
      %dma_wait3A_69 = arith.constant 0 : i32
      %dma_wait3A_70 = tpu.memref_slice %arg2[%dma_wait3A_68, %dma_wait3A_69] : memref<16660x256xf32, #tpu.memory_space<hbm>> -> memref<16660x256xf32, #tpu.memory_space<hbm>>
      tpu.wait_indirect_dma semaphore(%arg10 : memref<!tpu.dma_semaphore, #tpu.memory_space<semaphore_mem>>) src(%dma_wait3A_70 : memref<16660x256xf32, #tpu.memory_space<hbm>>) dst(%dma_wait3A_64 : memref<56x256xf32, #tpu.memory_space<vmem>>)
      %dma_wait3A_71 = arith.constant 1 : i32
      %dma_wait3A_72 = arith.constant 1 : i32
      %dma_wait3A_73 = arith.constant 0 : i32
      %dma_wait3A_74 = arith.constant 0 : i32
      %dma_wait3A_75 = tpu.memref_slice %arg8[%dma_wait3A_72, %dma_wait3A_73, %dma_wait3A_74] : memref<4x56x256xf32, #tpu.memory_space<vmem>> -> memref<1x56x256xf32, #tpu.memory_space<vmem>>
      %dma_wait3A_76 = tpu.memref_squeeze %dma_wait3A_75 : memref<1x56x256xf32, #tpu.memory_space<vmem>> -> memref<56x256xf32, #tpu.memory_space<vmem>>
      %dma_wait3A_77 = arith.constant 0 : i32
      %dma_wait3A_78 = tpu.memref_slice %arg6[%scan3A_11, %dma_wait3A_71, %dma_wait3A_77] : memref<16x4x56xi32, #tpu.memory_space<vmem>> -> memref<1x1x56xi32, #tpu.memory_space<vmem>>
      %dma_wait3A_79 = tpu.memref_squeeze %dma_wait3A_78 : memref<1x1x56xi32, #tpu.memory_space<vmem>> -> memref<56xi32, #tpu.memory_space<vmem>>
      %dma_wait3A_80 = arith.constant 0 : i32
      %dma_wait3A_81 = arith.constant 0 : i32
      %dma_wait3A_82 = tpu.memref_slice %arg2[%dma_wait3A_80, %dma_wait3A_81] : memref<16660x256xf32, #tpu.memory_space<hbm>> -> memref<16660x256xf32, #tpu.memory_space<hbm>>
      tpu.wait_indirect_dma semaphore(%arg10 : memref<!tpu.dma_semaphore, #tpu.memory_space<semaphore_mem>>) src(%dma_wait3A_82 : memref<16660x256xf32, #tpu.memory_space<hbm>>) dst(%dma_wait3A_76 : memref<56x256xf32, #tpu.memory_space<vmem>>)
      %dma_wait3A_83 = arith.constant 2 : i32
      %dma_wait3A_84 = arith.constant 2 : i32
      %dma_wait3A_85 = arith.constant 0 : i32
      %dma_wait3A_86 = arith.constant 0 : i32
      %dma_wait3A_87 = tpu.memref_slice %arg8[%dma_wait3A_84, %dma_wait3A_85, %dma_wait3A_86] : memref<4x56x256xf32, #tpu.memory_space<vmem>> -> memref<1x56x256xf32, #tpu.memory_space<vmem>>
      %dma_wait3A_88 = tpu.memref_squeeze %dma_wait3A_87 : memref<1x56x256xf32, #tpu.memory_space<vmem>> -> memref<56x256xf32, #tpu.memory_space<vmem>>
      %dma_wait3A_89 = arith.constant 0 : i32
      %dma_wait3A_90 = tpu.memref_slice %arg6[%scan3A_11, %dma_wait3A_83, %dma_wait3A_89] : memref<16x4x56xi32, #tpu.memory_space<vmem>> -> memref<1x1x56xi32, #tpu.memory_space<vmem>>
      %dma_wait3A_91 = tpu.memref_squeeze %dma_wait3A_90 : memref<1x1x56xi32, #tpu.memory_space<vmem>> -> memref<56xi32, #tpu.memory_space<vmem>>
      %dma_wait3A_92 = arith.constant 0 : i32
      %dma_wait3A_93 = arith.constant 0 : i32
      %dma_wait3A_94 = tpu.memref_slice %arg2[%dma_wait3A_92, %dma_wait3A_93] : memref<16660x256xf32, #tpu.memory_space<hbm>> -> memref<16660x256xf32, #tpu.memory_space<hbm>>
      tpu.wait_indirect_dma semaphore(%arg10 : memref<!tpu.dma_semaphore, #tpu.memory_space<semaphore_mem>>) src(%dma_wait3A_94 : memref<16660x256xf32, #tpu.memory_space<hbm>>) dst(%dma_wait3A_88 : memref<56x256xf32, #tpu.memory_space<vmem>>)
      %dma_wait3A_95 = arith.constant 3 : i32
      %dma_wait3A_96 = arith.constant 3 : i32
      %dma_wait3A_97 = arith.constant 0 : i32
      %dma_wait3A_98 = arith.constant 0 : i32
      %dma_wait3A_99 = tpu.memref_slice %arg8[%dma_wait3A_96, %dma_wait3A_97, %dma_wait3A_98] : memref<4x56x256xf32, #tpu.memory_space<vmem>> -> memref<1x56x256xf32, #tpu.memory_space<vmem>>
      %dma_wait3A_100 = tpu.memref_squeeze %dma_wait3A_99 : memref<1x56x256xf32, #tpu.memory_space<vmem>> -> memref<56x256xf32, #tpu.memory_space<vmem>>
      %dma_wait3A_101 = arith.constant 0 : i32
      %dma_wait3A_102 = tpu.memref_slice %arg6[%scan3A_11, %dma_wait3A_95, %dma_wait3A_101] : memref<16x4x56xi32, #tpu.memory_space<vmem>> -> memref<1x1x56xi32, #tpu.memory_space<vmem>>
      %dma_wait3A_103 = tpu.memref_squeeze %dma_wait3A_102 : memref<1x1x56xi32, #tpu.memory_space<vmem>> -> memref<56xi32, #tpu.memory_space<vmem>>
      %dma_wait3A_104 = arith.constant 0 : i32
      %dma_wait3A_105 = arith.constant 0 : i32
      %dma_wait3A_106 = tpu.memref_slice %arg2[%dma_wait3A_104, %dma_wait3A_105] : memref<16660x256xf32, #tpu.memory_space<hbm>> -> memref<16660x256xf32, #tpu.memory_space<hbm>>
      tpu.wait_indirect_dma semaphore(%arg10 : memref<!tpu.dma_semaphore, #tpu.memory_space<semaphore_mem>>) src(%dma_wait3A_106 : memref<16660x256xf32, #tpu.memory_space<hbm>>) dst(%dma_wait3A_100 : memref<56x256xf32, #tpu.memory_space<vmem>>)
      %scan3A_107 = arith.constant 0 : i32
      %scan3A_108 = arith.constant 0 : i32
      %scan3A_109 = arith.constant 49 : i32
      %scan3A_110 = arith.addi %scan3A_108, %scan3A_109 : i32
      %scan3A_111 = arith.constant 1 : i32
      scf.for %scan3A_114 = %scan3A_108 to %scan3A_110 step %scan3A_111  : i32 {
        %add3A_115 = arith.constant 0 : i32
        %add3A_116 = arith.addi %add3A_115, %scan3A_114 : i32
        %get3A = arith.index_cast %add3A_116 : i32 to index
        %get3A_117 = arith.constant 0 : index
        %get3A_118 = tpu.vector_load %arg7[%get3A, %get3A_117] {strides = array<i32>} : memref<196x16xf32, #tpu.memory_space<vmem>>, vector<16xf32>,
        %add3A_119 = arith.constant 49 : i32
        %add3A_120 = arith.addi %add3A_119, %scan3A_114 : i32
        %get3A_121 = arith.index_cast %add3A_120 : i32 to index
        %get3A_122 = arith.constant 0 : index
        %get3A_123 = tpu.vector_load %arg7[%get3A_121, %get3A_122] {strides = array<i32>} : memref<196x16xf32, #tpu.memory_space<vmem>>, vector<16xf32>,
        %add3A_124 = arith.constant 98 : i32
        %add3A_125 = arith.addi %add3A_124, %scan3A_114 : i32
        %get3A_126 = arith.index_cast %add3A_125 : i32 to index
        %get3A_127 = arith.constant 0 : index
        %get3A_128 = tpu.vector_load %arg7[%get3A_126, %get3A_127] {strides = array<i32>} : memref<196x16xf32, #tpu.memory_space<vmem>>, vector<16xf32>,
        %add3A_129 = arith.constant 147 : i32
        %add3A_130 = arith.addi %add3A_129, %scan3A_114 : i32
        %get3A_131 = arith.index_cast %add3A_130 : i32 to index
        %get3A_132 = arith.constant 0 : index
        %get3A_133 = tpu.vector_load %arg7[%get3A_131, %get3A_132] {strides = array<i32>} : memref<196x16xf32, #tpu.memory_space<vmem>>, vector<16xf32>,
        %get3A_134 = arith.constant 0 : i32
        %get3A_135 = arith.index_cast %get3A_134 : i32 to index
        %get3A_136 = arith.index_cast %scan3A_114 : i32 to index
        %get3A_137 = arith.constant 0 : index
        %get3A_138 = tpu.vector_load %arg8[%get3A_135, %get3A_136, %get3A_137] {strides = array<i32>} : memref<4x56x256xf32, #tpu.memory_space<vmem>>, vector<16xf32>,
        %mul3A_139 = arith.mulf %get3A_118, %get3A_138 : vector<16xf32>
        %get3A_140 = arith.constant 1 : i32
        %get3A_141 = arith.index_cast %get3A_140 : i32 to index
        %get3A_142 = arith.index_cast %scan3A_114 : i32 to index
        %get3A_143 = arith.constant 0 : index
        %get3A_144 = tpu.vector_load %arg8[%get3A_141, %get3A_142, %get3A_143] {strides = array<i32>} : memref<4x56x256xf32, #tpu.memory_space<vmem>>, vector<16xf32>,
        %mul3A_145 = arith.mulf %get3A_123, %get3A_144 : vector<16xf32>
        %add3A_146 = arith.addf %mul3A_139, %mul3A_145 : vector<16xf32>
        %get3A_147 = arith.constant 2 : i32
        %get3A_148 = arith.index_cast %get3A_147 : i32 to index
        %get3A_149 = arith.index_cast %scan3A_114 : i32 to index
        %get3A_150 = arith.constant 0 : index
        %get3A_151 = tpu.vector_load %arg8[%get3A_148, %get3A_149, %get3A_150] {strides = array<i32>} : memref<4x56x256xf32, #tpu.memory_space<vmem>>, vector<16xf32>,
        %mul3A_152 = arith.mulf %get3A_128, %get3A_151 : vector<16xf32>
        %add3A_153 = arith.addf %add3A_146, %mul3A_152 : vector<16xf32>
        %get3A_154 = arith.constant 3 : i32
        %get3A_155 = arith.index_cast %get3A_154 : i32 to index
        %get3A_156 = arith.index_cast %scan3A_114 : i32 to index
        %get3A_157 = arith.constant 0 : index
        %get3A_158 = tpu.vector_load %arg8[%get3A_155, %get3A_156, %get3A_157] {strides = array<i32>} : memref<4x56x256xf32, #tpu.memory_space<vmem>>, vector<16xf32>,
        %mul3A_159 = arith.mulf %get3A_133, %get3A_158 : vector<16xf32>
        %add3A_160 = arith.addf %add3A_153, %mul3A_159 : vector<16xf32>
        %add3A_161 = arith.constant 0 : i32
        %add3A_162 = arith.addi %scan3A_114, %add3A_161 : i32
        %add3A_163 = vector.broadcast %add3A_162 : i32 to vector<16xi32>
        %add3A_164 = arith.addi %mul3A_5, %add3A_163 : vector<16xi32>
        tpu.vector_store_idx %arg9[%add3A_164], %add3A_160 : memref<12544xf32, #tpu.memory_space<vmem>>[vector<16xi32>], vector<16xf32>,
        %get3A_165 = arith.constant 0 : i32
        %get3A_166 = arith.index_cast %get3A_165 : i32 to index
        %get3A_167 = arith.index_cast %scan3A_114 : i32 to index
        %get3A_168 = arith.constant 16 : index
        %get3A_169 = tpu.vector_load %arg8[%get3A_166, %get3A_167, %get3A_168] {strides = array<i32>} : memref<4x56x256xf32, #tpu.memory_space<vmem>>, vector<16xf32>,
        %mul3A_170 = arith.mulf %get3A_118, %get3A_169 : vector<16xf32>
        %get3A_171 = arith.constant 1 : i32
        %get3A_172 = arith.index_cast %get3A_171 : i32 to index
        %get3A_173 = arith.index_cast %scan3A_114 : i32 to index
        %get3A_174 = arith.constant 16 : index
        %get3A_175 = tpu.vector_load %arg8[%get3A_172, %get3A_173, %get3A_174] {strides = array<i32>} : memref<4x56x256xf32, #tpu.memory_space<vmem>>, vector<16xf32>,
        %mul3A_176 = arith.mulf %get3A_123, %get3A_175 : vector<16xf32>
        %add3A_177 = arith.addf %mul3A_170, %mul3A_176 : vector<16xf32>
        %get3A_178 = arith.constant 2 : i32
        %get3A_179 = arith.index_cast %get3A_178 : i32 to index
        %get3A_180 = arith.index_cast %scan3A_114 : i32 to index
        %get3A_181 = arith.constant 16 : index
        %get3A_182 = tpu.vector_load %arg8[%get3A_179, %get3A_180, %get3A_181] {strides = array<i32>} : memref<4x56x256xf32, #tpu.memory_space<vmem>>, vector<16xf32>,
        %mul3A_183 = arith.mulf %get3A_128, %get3A_182 : vector<16xf32>
        %add3A_184 = arith.addf %add3A_177, %mul3A_183 : vector<16xf32>
        %get3A_185 = arith.constant 3 : i32
        %get3A_186 = arith.index_cast %get3A_185 : i32 to index
        %get3A_187 = arith.index_cast %scan3A_114 : i32 to index
        %get3A_188 = arith.constant 16 : index
        %get3A_189 = tpu.vector_load %arg8[%get3A_186, %get3A_187, %get3A_188] {strides = array<i32>} : memref<4x56x256xf32, #tpu.memory_space<vmem>>, vector<16xf32>,
        %mul3A_190 = arith.mulf %get3A_133, %get3A_189 : vector<16xf32>
        %add3A_191 = arith.addf %add3A_184, %mul3A_190 : vector<16xf32>
        %add3A_192 = arith.constant 784 : i32
        %add3A_193 = arith.addi %scan3A_114, %add3A_192 : i32
        %add3A_194 = vector.broadcast %add3A_193 : i32 to vector<16xi32>
        %add3A_195 = arith.addi %mul3A_5, %add3A_194 : vector<16xi32>
        tpu.vector_store_idx %arg9[%add3A_195], %add3A_191 : memref<12544xf32, #tpu.memory_space<vmem>>[vector<16xi32>], vector<16xf32>,
        %get3A_196 = arith.constant 0 : i32
        %get3A_197 = arith.index_cast %get3A_196 : i32 to index
        %get3A_198 = arith.index_cast %scan3A_114 : i32 to index
        %get3A_199 = arith.constant 32 : index
        %get3A_200 = tpu.vector_load %arg8[%get3A_197, %get3A_198, %get3A_199] {strides = array<i32>} : memref<4x56x256xf32, #tpu.memory_space<vmem>>, vector<16xf32>,
        %mul3A_201 = arith.mulf %get3A_118, %get3A_200 : vector<16xf32>
        %get3A_202 = arith.constant 1 : i32
        %get3A_203 = arith.index_cast %get3A_202 : i32 to index
        %get3A_204 = arith.index_cast %scan3A_114 : i32 to index
        %get3A_205 = arith.constant 32 : index
        %get3A_206 = tpu.vector_load %arg8[%get3A_203, %get3A_204, %get3A_205] {strides = array<i32>} : memref<4x56x256xf32, #tpu.memory_space<vmem>>, vector<16xf32>,
        %mul3A_207 = arith.mulf %get3A_123, %get3A_206 : vector<16xf32>
        %add3A_208 = arith.addf %mul3A_201, %mul3A_207 : vector<16xf32>
        %get3A_209 = arith.constant 2 : i32
        %get3A_210 = arith.index_cast %get3A_209 : i32 to index
        %get3A_211 = arith.index_cast %scan3A_114 : i32 to index
        %get3A_212 = arith.constant 32 : index
        %get3A_213 = tpu.vector_load %arg8[%get3A_210, %get3A_211, %get3A_212] {strides = array<i32>} : memref<4x56x256xf32, #tpu.memory_space<vmem>>, vector<16xf32>,
        %mul3A_214 = arith.mulf %get3A_128, %get3A_213 : vector<16xf32>
        %add3A_215 = arith.addf %add3A_208, %mul3A_214 : vector<16xf32>
        %get3A_216 = arith.constant 3 : i32
        %get3A_217 = arith.index_cast %get3A_216 : i32 to index
        %get3A_218 = arith.index_cast %scan3A_114 : i32 to index
        %get3A_219 = arith.constant 32 : index
        %get3A_220 = tpu.vector_load %arg8[%get3A_217, %get3A_218, %get3A_219] {strides = array<i32>} : memref<4x56x256xf32, #tpu.memory_space<vmem>>, vector<16xf32>,
        %mul3A_221 = arith.mulf %get3A_133, %get3A_220 : vector<16xf32>
        %add3A_222 = arith.addf %add3A_215, %mul3A_221 : vector<16xf32>
        %add3A_223 = arith.constant 1568 : i32
        %add3A_224 = arith.addi %scan3A_114, %add3A_223 : i32
        %add3A_225 = vector.broadcast %add3A_224 : i32 to vector<16xi32>
        %add3A_226 = arith.addi %mul3A_5, %add3A_225 : vector<16xi32>
        tpu.vector_store_idx %arg9[%add3A_226], %add3A_222 : memref<12544xf32, #tpu.memory_space<vmem>>[vector<16xi32>], vector<16xf32>,
        %get3A_227 = arith.constant 0 : i32
        %get3A_228 = arith.index_cast %get3A_227 : i32 to index
        %get3A_229 = arith.index_cast %scan3A_114 : i32 to index
        %get3A_230 = arith.constant 48 : index
        %get3A_231 = tpu.vector_load %arg8[%get3A_228, %get3A_229, %get3A_230] {strides = array<i32>} : memref<4x56x256xf32, #tpu.memory_space<vmem>>, vector<16xf32>,
        %mul3A_232 = arith.mulf %get3A_118, %get3A_231 : vector<16xf32>
        %get3A_233 = arith.constant 1 : i32
        %get3A_234 = arith.index_cast %get3A_233 : i32 to index
        %get3A_235 = arith.index_cast %scan3A_114 : i32 to index
        %get3A_236 = arith.constant 48 : index
        %get3A_237 = tpu.vector_load %arg8[%get3A_234, %get3A_235, %get3A_236] {strides = array<i32>} : memref<4x56x256xf32, #tpu.memory_space<vmem>>, vector<16xf32>,
        %mul3A_238 = arith.mulf %get3A_123, %get3A_237 : vector<16xf32>
        %add3A_239 = arith.addf %mul3A_232, %mul3A_238 : vector<16xf32>
        %get3A_240 = arith.constant 2 : i32
        %get3A_241 = arith.index_cast %get3A_240 : i32 to index
        %get3A_242 = arith.index_cast %scan3A_114 : i32 to index
        %get3A_243 = arith.constant 48 : index
        %get3A_244 = tpu.vector_load %arg8[%get3A_241, %get3A_242, %get3A_243] {strides = array<i32>} : memref<4x56x256xf32, #tpu.memory_space<vmem>>, vector<16xf32>,
        %mul3A_245 = arith.mulf %get3A_128, %get3A_244 : vector<16xf32>
        %add3A_246 = arith.addf %add3A_239, %mul3A_245 : vector<16xf32>
        %get3A_247 = arith.constant 3 : i32
        %get3A_248 = arith.index_cast %get3A_247 : i32 to index
        %get3A_249 = arith.index_cast %scan3A_114 : i32 to index
        %get3A_250 = arith.constant 48 : index
        %get3A_251 = tpu.vector_load %arg8[%get3A_248, %get3A_249, %get3A_250] {strides = array<i32>} : memref<4x56x256xf32, #tpu.memory_space<vmem>>, vector<16xf32>,
        %mul3A_252 = arith.mulf %get3A_133, %get3A_251 : vector<16xf32>
        %add3A_253 = arith.addf %add3A_246, %mul3A_252 : vector<16xf32>
        %add3A_254 = arith.constant 2352 : i32
        %add3A_255 = arith.addi %scan3A_114, %add3A_254 : i32
        %add3A_256 = vector.broadcast %add3A_255 : i32 to vector<16xi32>
        %add3A_257 = arith.addi %mul3A_5, %add3A_256 : vector<16xi32>
        tpu.vector_store_idx %arg9[%add3A_257], %add3A_253 : memref<12544xf32, #tpu.memory_space<vmem>>[vector<16xi32>], vector<16xf32>,
        %get3A_258 = arith.constant 0 : i32
        %get3A_259 = arith.index_cast %get3A_258 : i32 to index
        %get3A_260 = arith.index_cast %scan3A_114 : i32 to index
        %get3A_261 = arith.constant 64 : index
        %get3A_262 = tpu.vector_load %arg8[%get3A_259, %get3A_260, %get3A_261] {strides = array<i32>} : memref<4x56x256xf32, #tpu.memory_space<vmem>>, vector<16xf32>,
        %mul3A_263 = arith.mulf %get3A_118, %get3A_262 : vector<16xf32>
        %get3A_264 = arith.constant 1 : i32
        %get3A_265 = arith.index_cast %get3A_264 : i32 to index
        %get3A_266 = arith.index_cast %scan3A_114 : i32 to index
        %get3A_267 = arith.constant 64 : index
        %get3A_268 = tpu.vector_load %arg8[%get3A_265, %get3A_266, %get3A_267] {strides = array<i32>} : memref<4x56x256xf32, #tpu.memory_space<vmem>>, vector<16xf32>,
        %mul3A_269 = arith.mulf %get3A_123, %get3A_268 : vector<16xf32>
        %add3A_270 = arith.addf %mul3A_263, %mul3A_269 : vector<16xf32>
        %get3A_271 = arith.constant 2 : i32
        %get3A_272 = arith.index_cast %get3A_271 : i32 to index
        %get3A_273 = arith.index_cast %scan3A_114 : i32 to index
        %get3A_274 = arith.constant 64 : index
        %get3A_275 = tpu.vector_load %arg8[%get3A_272, %get3A_273, %get3A_274] {strides = array<i32>} : memref<4x56x256xf32, #tpu.memory_space<vmem>>, vector<16xf32>,
        %mul3A_276 = arith.mulf %get3A_128, %get3A_275 : vector<16xf32>
        %add3A_277 = arith.addf %add3A_270, %mul3A_276 : vector<16xf32>
        %get3A_278 = arith.constant 3 : i32
        %get3A_279 = arith.index_cast %get3A_278 : i32 to index
        %get3A_280 = arith.index_cast %scan3A_114 : i32 to index
        %get3A_281 = arith.constant 64 : index
        %get3A_282 = tpu.vector_load %arg8[%get3A_279, %get3A_280, %get3A_281] {strides = array<i32>} : memref<4x56x256xf32, #tpu.memory_space<vmem>>, vector<16xf32>,
        %mul3A_283 = arith.mulf %get3A_133, %get3A_282 : vector<16xf32>
        %add3A_284 = arith.addf %add3A_277, %mul3A_283 : vector<16xf32>
        %add3A_285 = arith.constant 3136 : i32
        %add3A_286 = arith.addi %scan3A_114, %add3A_285 : i32
        %add3A_287 = vector.broadcast %add3A_286 : i32 to vector<16xi32>
        %add3A_288 = arith.addi %mul3A_5, %add3A_287 : vector<16xi32>
        tpu.vector_store_idx %arg9[%add3A_288], %add3A_284 : memref<12544xf32, #tpu.memory_space<vmem>>[vector<16xi32>], vector<16xf32>,
        %get3A_289 = arith.constant 0 : i32
        %get3A_290 = arith.index_cast %get3A_289 : i32 to index
        %get3A_291 = arith.index_cast %scan3A_114 : i32 to index
        %get3A_292 = arith.constant 80 : index
        %get3A_293 = tpu.vector_load %arg8[%get3A_290, %get3A_291, %get3A_292] {strides = array<i32>} : memref<4x56x256xf32, #tpu.memory_space<vmem>>, vector<16xf32>,
        %mul3A_294 = arith.mulf %get3A_118, %get3A_293 : vector<16xf32>
        %get3A_295 = arith.constant 1 : i32
        %get3A_296 = arith.index_cast %get3A_295 : i32 to index
        %get3A_297 = arith.index_cast %scan3A_114 : i32 to index
        %get3A_298 = arith.constant 80 : index
        %get3A_299 = tpu.vector_load %arg8[%get3A_296, %get3A_297, %get3A_298] {strides = array<i32>} : memref<4x56x256xf32, #tpu.memory_space<vmem>>, vector<16xf32>,
        %mul3A_300 = arith.mulf %get3A_123, %get3A_299 : vector<16xf32>
        %add3A_301 = arith.addf %mul3A_294, %mul3A_300 : vector<16xf32>
        %get3A_302 = arith.constant 2 : i32
        %get3A_303 = arith.index_cast %get3A_302 : i32 to index
        %get3A_304 = arith.index_cast %scan3A_114 : i32 to index
        %get3A_305 = arith.constant 80 : index
        %get3A_306 = tpu.vector_load %arg8[%get3A_303, %get3A_304, %get3A_305] {strides = array<i32>} : memref<4x56x256xf32, #tpu.memory_space<vmem>>, vector<16xf32>,
        %mul3A_307 = arith.mulf %get3A_128, %get3A_306 : vector<16xf32>
        %add3A_308 = arith.addf %add3A_301, %mul3A_307 : vector<16xf32>
        %get3A_309 = arith.constant 3 : i32
        %get3A_310 = arith.index_cast %get3A_309 : i32 to index
        %get3A_311 = arith.index_cast %scan3A_114 : i32 to index
        %get3A_312 = arith.constant 80 : index
        %get3A_313 = tpu.vector_load %arg8[%get3A_310, %get3A_311, %get3A_312] {strides = array<i32>} : memref<4x56x256xf32, #tpu.memory_space<vmem>>, vector<16xf32>,
        %mul3A_314 = arith.mulf %get3A_133, %get3A_313 : vector<16xf32>
        %add3A_315 = arith.addf %add3A_308, %mul3A_314 : vector<16xf32>
        %add3A_316 = arith.constant 3920 : i32
        %add3A_317 = arith.addi %scan3A_114, %add3A_316 : i32
        %add3A_318 = vector.broadcast %add3A_317 : i32 to vector<16xi32>
        %add3A_319 = arith.addi %mul3A_5, %add3A_318 : vector<16xi32>
        tpu.vector_store_idx %arg9[%add3A_319], %add3A_315 : memref<12544xf32, #tpu.memory_space<vmem>>[vector<16xi32>], vector<16xf32>,
        %get3A_320 = arith.constant 0 : i32
        %get3A_321 = arith.index_cast %get3A_320 : i32 to index
        %get3A_322 = arith.index_cast %scan3A_114 : i32 to index
        %get3A_323 = arith.constant 96 : index
        %get3A_324 = tpu.vector_load %arg8[%get3A_321, %get3A_322, %get3A_323] {strides = array<i32>} : memref<4x56x256xf32, #tpu.memory_space<vmem>>, vector<16xf32>,
        %mul3A_325 = arith.mulf %get3A_118, %get3A_324 : vector<16xf32>
        %get3A_326 = arith.constant 1 : i32
        %get3A_327 = arith.index_cast %get3A_326 : i32 to index
        %get3A_328 = arith.index_cast %scan3A_114 : i32 to index
        %get3A_329 = arith.constant 96 : index
        %get3A_330 = tpu.vector_load %arg8[%get3A_327, %get3A_328, %get3A_329] {strides = array<i32>} : memref<4x56x256xf32, #tpu.memory_space<vmem>>, vector<16xf32>,
        %mul3A_331 = arith.mulf %get3A_123, %get3A_330 : vector<16xf32>
        %add3A_332 = arith.addf %mul3A_325, %mul3A_331 : vector<16xf32>
        %get3A_333 = arith.constant 2 : i32
        %get3A_334 = arith.index_cast %get3A_333 : i32 to index
        %get3A_335 = arith.index_cast %scan3A_114 : i32 to index
        %get3A_336 = arith.constant 96 : index
        %get3A_337 = tpu.vector_load %arg8[%get3A_334, %get3A_335, %get3A_336] {strides = array<i32>} : memref<4x56x256xf32, #tpu.memory_space<vmem>>, vector<16xf32>,
        %mul3A_338 = arith.mulf %get3A_128, %get3A_337 : vector<16xf32>
        %add3A_339 = arith.addf %add3A_332, %mul3A_338 : vector<16xf32>
        %get3A_340 = arith.constant 3 : i32
        %get3A_341 = arith.index_cast %get3A_340 : i32 to index
        %get3A_342 = arith.index_cast %scan3A_114 : i32 to index
        %get3A_343 = arith.constant 96 : index
        %get3A_344 = tpu.vector_load %arg8[%get3A_341, %get3A_342, %get3A_343] {strides = array<i32>} : memref<4x56x256xf32, #tpu.memory_space<vmem>>, vector<16xf32>,
        %mul3A_345 = arith.mulf %get3A_133, %get3A_344 : vector<16xf32>
        %add3A_346 = arith.addf %add3A_339, %mul3A_345 : vector<16xf32>
        %add3A_347 = arith.constant 4704 : i32
        %add3A_348 = arith.addi %scan3A_114, %add3A_347 : i32
        %add3A_349 = vector.broadcast %add3A_348 : i32 to vector<16xi32>
        %add3A_350 = arith.addi %mul3A_5, %add3A_349 : vector<16xi32>
        tpu.vector_store_idx %arg9[%add3A_350], %add3A_346 : memref<12544xf32, #tpu.memory_space<vmem>>[vector<16xi32>], vector<16xf32>,
        %get3A_351 = arith.constant 0 : i32
        %get3A_352 = arith.index_cast %get3A_351 : i32 to index
        %get3A_353 = arith.index_cast %scan3A_114 : i32 to index
        %get3A_354 = arith.constant 112 : index
        %get3A_355 = tpu.vector_load %arg8[%get3A_352, %get3A_353, %get3A_354] {strides = array<i32>} : memref<4x56x256xf32, #tpu.memory_space<vmem>>, vector<16xf32>,
        %mul3A_356 = arith.mulf %get3A_118, %get3A_355 : vector<16xf32>
        %get3A_357 = arith.constant 1 : i32
        %get3A_358 = arith.index_cast %get3A_357 : i32 to index
        %get3A_359 = arith.index_cast %scan3A_114 : i32 to index
        %get3A_360 = arith.constant 112 : index
        %get3A_361 = tpu.vector_load %arg8[%get3A_358, %get3A_359, %get3A_360] {strides = array<i32>} : memref<4x56x256xf32, #tpu.memory_space<vmem>>, vector<16xf32>,
        %mul3A_362 = arith.mulf %get3A_123, %get3A_361 : vector<16xf32>
        %add3A_363 = arith.addf %mul3A_356, %mul3A_362 : vector<16xf32>
        %get3A_364 = arith.constant 2 : i32
        %get3A_365 = arith.index_cast %get3A_364 : i32 to index
        %get3A_366 = arith.index_cast %scan3A_114 : i32 to index
        %get3A_367 = arith.constant 112 : index
        %get3A_368 = tpu.vector_load %arg8[%get3A_365, %get3A_366, %get3A_367] {strides = array<i32>} : memref<4x56x256xf32, #tpu.memory_space<vmem>>, vector<16xf32>,
        %mul3A_369 = arith.mulf %get3A_128, %get3A_368 : vector<16xf32>
        %add3A_370 = arith.addf %add3A_363, %mul3A_369 : vector<16xf32>
        %get3A_371 = arith.constant 3 : i32
        %get3A_372 = arith.index_cast %get3A_371 : i32 to index
        %get3A_373 = arith.index_cast %scan3A_114 : i32 to index
        %get3A_374 = arith.constant 112 : index
        %get3A_375 = tpu.vector_load %arg8[%get3A_372, %get3A_373, %get3A_374] {strides = array<i32>} : memref<4x56x256xf32, #tpu.memory_space<vmem>>, vector<16xf32>,
        %mul3A_376 = arith.mulf %get3A_133, %get3A_375 : vector<16xf32>
        %add3A_377 = arith.addf %add3A_370, %mul3A_376 : vector<16xf32>
        %add3A_378 = arith.constant 5488 : i32
        %add3A_379 = arith.addi %scan3A_114, %add3A_378 : i32
        %add3A_380 = vector.broadcast %add3A_379 : i32 to vector<16xi32>
        %add3A_381 = arith.addi %mul3A_5, %add3A_380 : vector<16xi32>
        tpu.vector_store_idx %arg9[%add3A_381], %add3A_377 : memref<12544xf32, #tpu.memory_space<vmem>>[vector<16xi32>], vector<16xf32>,
        %get3A_382 = arith.constant 0 : i32
        %get3A_383 = arith.index_cast %get3A_382 : i32 to index
        %get3A_384 = arith.index_cast %scan3A_114 : i32 to index
        %get3A_385 = arith.constant 128 : index
        %get3A_386 = tpu.vector_load %arg8[%get3A_383, %get3A_384, %get3A_385] {strides = array<i32>} : memref<4x56x256xf32, #tpu.memory_space<vmem>>, vector<16xf32>,
        %mul3A_387 = arith.mulf %get3A_118, %get3A_386 : vector<16xf32>
        %get3A_388 = arith.constant 1 : i32
        %get3A_389 = arith.index_cast %get3A_388 : i32 to index
        %get3A_390 = arith.index_cast %scan3A_114 : i32 to index
        %get3A_391 = arith.constant 128 : index
        %get3A_392 = tpu.vector_load %arg8[%get3A_389, %get3A_390, %get3A_391] {strides = array<i32>} : memref<4x56x256xf32, #tpu.memory_space<vmem>>, vector<16xf32>,
        %mul3A_393 = arith.mulf %get3A_123, %get3A_392 : vector<16xf32>
        %add3A_394 = arith.addf %mul3A_387, %mul3A_393 : vector<16xf32>
        %get3A_395 = arith.constant 2 : i32
        %get3A_396 = arith.index_cast %get3A_395 : i32 to index
        %get3A_397 = arith.index_cast %scan3A_114 : i32 to index
        %get3A_398 = arith.constant 128 : index
        %get3A_399 = tpu.vector_load %arg8[%get3A_396, %get3A_397, %get3A_398] {strides = array<i32>} : memref<4x56x256xf32, #tpu.memory_space<vmem>>, vector<16xf32>,
        %mul3A_400 = arith.mulf %get3A_128, %get3A_399 : vector<16xf32>
        %add3A_401 = arith.addf %add3A_394, %mul3A_400 : vector<16xf32>
        %get3A_402 = arith.constant 3 : i32
        %get3A_403 = arith.index_cast %get3A_402 : i32 to index
        %get3A_404 = arith.index_cast %scan3A_114 : i32 to index
        %get3A_405 = arith.constant 128 : index
        %get3A_406 = tpu.vector_load %arg8[%get3A_403, %get3A_404, %get3A_405] {strides = array<i32>} : memref<4x56x256xf32, #tpu.memory_space<vmem>>, vector<16xf32>,
        %mul3A_407 = arith.mulf %get3A_133, %get3A_406 : vector<16xf32>
        %add3A_408 = arith.addf %add3A_401, %mul3A_407 : vector<16xf32>
        %add3A_409 = arith.constant 6272 : i32
        %add3A_410 = arith.addi %scan3A_114, %add3A_409 : i32
        %add3A_411 = vector.broadcast %add3A_410 : i32 to vector<16xi32>
        %add3A_412 = arith.addi %mul3A_5, %add3A_411 : vector<16xi32>
        tpu.vector_store_idx %arg9[%add3A_412], %add3A_408 : memref<12544xf32, #tpu.memory_space<vmem>>[vector<16xi32>], vector<16xf32>,
        %get3A_413 = arith.constant 0 : i32
        %get3A_414 = arith.index_cast %get3A_413 : i32 to index
        %get3A_415 = arith.index_cast %scan3A_114 : i32 to index
        %get3A_416 = arith.constant 144 : index
        %get3A_417 = tpu.vector_load %arg8[%get3A_414, %get3A_415, %get3A_416] {strides = array<i32>} : memref<4x56x256xf32, #tpu.memory_space<vmem>>, vector<16xf32>,
        %mul3A_418 = arith.mulf %get3A_118, %get3A_417 : vector<16xf32>
        %get3A_419 = arith.constant 1 : i32
        %get3A_420 = arith.index_cast %get3A_419 : i32 to index
        %get3A_421 = arith.index_cast %scan3A_114 : i32 to index
        %get3A_422 = arith.constant 144 : index
        %get3A_423 = tpu.vector_load %arg8[%get3A_420, %get3A_421, %get3A_422] {strides = array<i32>} : memref<4x56x256xf32, #tpu.memory_space<vmem>>, vector<16xf32>,
        %mul3A_424 = arith.mulf %get3A_123, %get3A_423 : vector<16xf32>
        %add3A_425 = arith.addf %mul3A_418, %mul3A_424 : vector<16xf32>
        %get3A_426 = arith.constant 2 : i32
        %get3A_427 = arith.index_cast %get3A_426 : i32 to index
        %get3A_428 = arith.index_cast %scan3A_114 : i32 to index
        %get3A_429 = arith.constant 144 : index
        %get3A_430 = tpu.vector_load %arg8[%get3A_427, %get3A_428, %get3A_429] {strides = array<i32>} : memref<4x56x256xf32, #tpu.memory_space<vmem>>, vector<16xf32>,
        %mul3A_431 = arith.mulf %get3A_128, %get3A_430 : vector<16xf32>
        %add3A_432 = arith.addf %add3A_425, %mul3A_431 : vector<16xf32>
        %get3A_433 = arith.constant 3 : i32
        %get3A_434 = arith.index_cast %get3A_433 : i32 to index
        %get3A_435 = arith.index_cast %scan3A_114 : i32 to index
        %get3A_436 = arith.constant 144 : index
        %get3A_437 = tpu.vector_load %arg8[%get3A_434, %get3A_435, %get3A_436] {strides = array<i32>} : memref<4x56x256xf32, #tpu.memory_space<vmem>>, vector<16xf32>,
        %mul3A_438 = arith.mulf %get3A_133, %get3A_437 : vector<16xf32>
        %add3A_439 = arith.addf %add3A_432, %mul3A_438 : vector<16xf32>
        %add3A_440 = arith.constant 7056 : i32
        %add3A_441 = arith.addi %scan3A_114, %add3A_440 : i32
        %add3A_442 = vector.broadcast %add3A_441 : i32 to vector<16xi32>
        %add3A_443 = arith.addi %mul3A_5, %add3A_442 : vector<16xi32>
        tpu.vector_store_idx %arg9[%add3A_443], %add3A_439 : memref<12544xf32, #tpu.memory_space<vmem>>[vector<16xi32>], vector<16xf32>,
        %get3A_444 = arith.constant 0 : i32
        %get3A_445 = arith.index_cast %get3A_444 : i32 to index
        %get3A_446 = arith.index_cast %scan3A_114 : i32 to index
        %get3A_447 = arith.constant 160 : index
        %get3A_448 = tpu.vector_load %arg8[%get3A_445, %get3A_446, %get3A_447] {strides = array<i32>} : memref<4x56x256xf32, #tpu.memory_space<vmem>>, vector<16xf32>,
        %mul3A_449 = arith.mulf %get3A_118, %get3A_448 : vector<16xf32>
        %get3A_450 = arith.constant 1 : i32
        %get3A_451 = arith.index_cast %get3A_450 : i32 to index
        %get3A_452 = arith.index_cast %scan3A_114 : i32 to index
        %get3A_453 = arith.constant 160 : index
        %get3A_454 = tpu.vector_load %arg8[%get3A_451, %get3A_452, %get3A_453] {strides = array<i32>} : memref<4x56x256xf32, #tpu.memory_space<vmem>>, vector<16xf32>,
        %mul3A_455 = arith.mulf %get3A_123, %get3A_454 : vector<16xf32>
        %add3A_456 = arith.addf %mul3A_449, %mul3A_455 : vector<16xf32>
        %get3A_457 = arith.constant 2 : i32
        %get3A_458 = arith.index_cast %get3A_457 : i32 to index
        %get3A_459 = arith.index_cast %scan3A_114 : i32 to index
        %get3A_460 = arith.constant 160 : index
        %get3A_461 = tpu.vector_load %arg8[%get3A_458, %get3A_459, %get3A_460] {strides = array<i32>} : memref<4x56x256xf32, #tpu.memory_space<vmem>>, vector<16xf32>,
        %mul3A_462 = arith.mulf %get3A_128, %get3A_461 : vector<16xf32>
        %add3A_463 = arith.addf %add3A_456, %mul3A_462 : vector<16xf32>
        %get3A_464 = arith.constant 3 : i32
        %get3A_465 = arith.index_cast %get3A_464 : i32 to index
        %get3A_466 = arith.index_cast %scan3A_114 : i32 to index
        %get3A_467 = arith.constant 160 : index
        %get3A_468 = tpu.vector_load %arg8[%get3A_465, %get3A_466, %get3A_467] {strides = array<i32>} : memref<4x56x256xf32, #tpu.memory_space<vmem>>, vector<16xf32>,
        %mul3A_469 = arith.mulf %get3A_133, %get3A_468 : vector<16xf32>
        %add3A_470 = arith.addf %add3A_463, %mul3A_469 : vector<16xf32>
        %add3A_471 = arith.constant 7840 : i32
        %add3A_472 = arith.addi %scan3A_114, %add3A_471 : i32
        %add3A_473 = vector.broadcast %add3A_472 : i32 to vector<16xi32>
        %add3A_474 = arith.addi %mul3A_5, %add3A_473 : vector<16xi32>
        tpu.vector_store_idx %arg9[%add3A_474], %add3A_470 : memref<12544xf32, #tpu.memory_space<vmem>>[vector<16xi32>], vector<16xf32>,
        %get3A_475 = arith.constant 0 : i32
        %get3A_476 = arith.index_cast %get3A_475 : i32 to index
        %get3A_477 = arith.index_cast %scan3A_114 : i32 to index
        %get3A_478 = arith.constant 176 : index
        %get3A_479 = tpu.vector_load %arg8[%get3A_476, %get3A_477, %get3A_478] {strides = array<i32>} : memref<4x56x256xf32, #tpu.memory_space<vmem>>, vector<16xf32>,
        %mul3A_480 = arith.mulf %get3A_118, %get3A_479 : vector<16xf32>
        %get3A_481 = arith.constant 1 : i32
        %get3A_482 = arith.index_cast %get3A_481 : i32 to index
        %get3A_483 = arith.index_cast %scan3A_114 : i32 to index
        %get3A_484 = arith.constant 176 : index
        %get3A_485 = tpu.vector_load %arg8[%get3A_482, %get3A_483, %get3A_484] {strides = array<i32>} : memref<4x56x256xf32, #tpu.memory_space<vmem>>, vector<16xf32>,
        %mul3A_486 = arith.mulf %get3A_123, %get3A_485 : vector<16xf32>
        %add3A_487 = arith.addf %mul3A_480, %mul3A_486 : vector<16xf32>
        %get3A_488 = arith.constant 2 : i32
        %get3A_489 = arith.index_cast %get3A_488 : i32 to index
        %get3A_490 = arith.index_cast %scan3A_114 : i32 to index
        %get3A_491 = arith.constant 176 : index
        %get3A_492 = tpu.vector_load %arg8[%get3A_489, %get3A_490, %get3A_491] {strides = array<i32>} : memref<4x56x256xf32, #tpu.memory_space<vmem>>, vector<16xf32>,
        %mul3A_493 = arith.mulf %get3A_128, %get3A_492 : vector<16xf32>
        %add3A_494 = arith.addf %add3A_487, %mul3A_493 : vector<16xf32>
        %get3A_495 = arith.constant 3 : i32
        %get3A_496 = arith.index_cast %get3A_495 : i32 to index
        %get3A_497 = arith.index_cast %scan3A_114 : i32 to index
        %get3A_498 = arith.constant 176 : index
        %get3A_499 = tpu.vector_load %arg8[%get3A_496, %get3A_497, %get3A_498] {strides = array<i32>} : memref<4x56x256xf32, #tpu.memory_space<vmem>>, vector<16xf32>,
        %mul3A_500 = arith.mulf %get3A_133, %get3A_499 : vector<16xf32>
        %add3A_501 = arith.addf %add3A_494, %mul3A_500 : vector<16xf32>
        %add3A_502 = arith.constant 8624 : i32
        %add3A_503 = arith.addi %scan3A_114, %add3A_502 : i32
        %add3A_504 = vector.broadcast %add3A_503 : i32 to vector<16xi32>
        %add3A_505 = arith.addi %mul3A_5, %add3A_504 : vector<16xi32>
        tpu.vector_store_idx %arg9[%add3A_505], %add3A_501 : memref<12544xf32, #tpu.memory_space<vmem>>[vector<16xi32>], vector<16xf32>,
        %get3A_506 = arith.constant 0 : i32
        %get3A_507 = arith.index_cast %get3A_506 : i32 to index
        %get3A_508 = arith.index_cast %scan3A_114 : i32 to index
        %get3A_509 = arith.constant 192 : index
        %get3A_510 = tpu.vector_load %arg8[%get3A_507, %get3A_508, %get3A_509] {strides = array<i32>} : memref<4x56x256xf32, #tpu.memory_space<vmem>>, vector<16xf32>,
        %mul3A_511 = arith.mulf %get3A_118, %get3A_510 : vector<16xf32>
        %get3A_512 = arith.constant 1 : i32
        %get3A_513 = arith.index_cast %get3A_512 : i32 to index
        %get3A_514 = arith.index_cast %scan3A_114 : i32 to index
        %get3A_515 = arith.constant 192 : index
        %get3A_516 = tpu.vector_load %arg8[%get3A_513, %get3A_514, %get3A_515] {strides = array<i32>} : memref<4x56x256xf32, #tpu.memory_space<vmem>>, vector<16xf32>,
        %mul3A_517 = arith.mulf %get3A_123, %get3A_516 : vector<16xf32>
        %add3A_518 = arith.addf %mul3A_511, %mul3A_517 : vector<16xf32>
        %get3A_519 = arith.constant 2 : i32
        %get3A_520 = arith.index_cast %get3A_519 : i32 to index
        %get3A_521 = arith.index_cast %scan3A_114 : i32 to index
        %get3A_522 = arith.constant 192 : index
        %get3A_523 = tpu.vector_load %arg8[%get3A_520, %get3A_521, %get3A_522] {strides = array<i32>} : memref<4x56x256xf32, #tpu.memory_space<vmem>>, vector<16xf32>,
        %mul3A_524 = arith.mulf %get3A_128, %get3A_523 : vector<16xf32>
        %add3A_525 = arith.addf %add3A_518, %mul3A_524 : vector<16xf32>
        %get3A_526 = arith.constant 3 : i32
        %get3A_527 = arith.index_cast %get3A_526 : i32 to index
        %get3A_528 = arith.index_cast %scan3A_114 : i32 to index
        %get3A_529 = arith.constant 192 : index
        %get3A_530 = tpu.vector_load %arg8[%get3A_527, %get3A_528, %get3A_529] {strides = array<i32>} : memref<4x56x256xf32, #tpu.memory_space<vmem>>, vector<16xf32>,
        %mul3A_531 = arith.mulf %get3A_133, %get3A_530 : vector<16xf32>
        %add3A_532 = arith.addf %add3A_525, %mul3A_531 : vector<16xf32>
        %add3A_533 = arith.constant 9408 : i32
        %add3A_534 = arith.addi %scan3A_114, %add3A_533 : i32
        %add3A_535 = vector.broadcast %add3A_534 : i32 to vector<16xi32>
        %add3A_536 = arith.addi %mul3A_5, %add3A_535 : vector<16xi32>
        tpu.vector_store_idx %arg9[%add3A_536], %add3A_532 : memref<12544xf32, #tpu.memory_space<vmem>>[vector<16xi32>], vector<16xf32>,
        %get3A_537 = arith.constant 0 : i32
        %get3A_538 = arith.index_cast %get3A_537 : i32 to index
        %get3A_539 = arith.index_cast %scan3A_114 : i32 to index
        %get3A_540 = arith.constant 208 : index
        %get3A_541 = tpu.vector_load %arg8[%get3A_538, %get3A_539, %get3A_540] {strides = array<i32>} : memref<4x56x256xf32, #tpu.memory_space<vmem>>, vector<16xf32>,
        %mul3A_542 = arith.mulf %get3A_118, %get3A_541 : vector<16xf32>
        %get3A_543 = arith.constant 1 : i32
        %get3A_544 = arith.index_cast %get3A_543 : i32 to index
        %get3A_545 = arith.index_cast %scan3A_114 : i32 to index
        %get3A_546 = arith.constant 208 : index
        %get3A_547 = tpu.vector_load %arg8[%get3A_544, %get3A_545, %get3A_546] {strides = array<i32>} : memref<4x56x256xf32, #tpu.memory_space<vmem>>, vector<16xf32>,
        %mul3A_548 = arith.mulf %get3A_123, %get3A_547 : vector<16xf32>
        %add3A_549 = arith.addf %mul3A_542, %mul3A_548 : vector<16xf32>
        %get3A_550 = arith.constant 2 : i32
        %get3A_551 = arith.index_cast %get3A_550 : i32 to index
        %get3A_552 = arith.index_cast %scan3A_114 : i32 to index
        %get3A_553 = arith.constant 208 : index
        %get3A_554 = tpu.vector_load %arg8[%get3A_551, %get3A_552, %get3A_553] {strides = array<i32>} : memref<4x56x256xf32, #tpu.memory_space<vmem>>, vector<16xf32>,
        %mul3A_555 = arith.mulf %get3A_128, %get3A_554 : vector<16xf32>
        %add3A_556 = arith.addf %add3A_549, %mul3A_555 : vector<16xf32>
        %get3A_557 = arith.constant 3 : i32
        %get3A_558 = arith.index_cast %get3A_557 : i32 to index
        %get3A_559 = arith.index_cast %scan3A_114 : i32 to index
        %get3A_560 = arith.constant 208 : index
        %get3A_561 = tpu.vector_load %arg8[%get3A_558, %get3A_559, %get3A_560] {strides = array<i32>} : memref<4x56x256xf32, #tpu.memory_space<vmem>>, vector<16xf32>,
        %mul3A_562 = arith.mulf %get3A_133, %get3A_561 : vector<16xf32>
        %add3A_563 = arith.addf %add3A_556, %mul3A_562 : vector<16xf32>
        %add3A_564 = arith.constant 10192 : i32
        %add3A_565 = arith.addi %scan3A_114, %add3A_564 : i32
        %add3A_566 = vector.broadcast %add3A_565 : i32 to vector<16xi32>
        %add3A_567 = arith.addi %mul3A_5, %add3A_566 : vector<16xi32>
        tpu.vector_store_idx %arg9[%add3A_567], %add3A_563 : memref<12544xf32, #tpu.memory_space<vmem>>[vector<16xi32>], vector<16xf32>,
        %get3A_568 = arith.constant 0 : i32
        %get3A_569 = arith.index_cast %get3A_568 : i32 to index
        %get3A_570 = arith.index_cast %scan3A_114 : i32 to index
        %get3A_571 = arith.constant 224 : index
        %get3A_572 = tpu.vector_load %arg8[%get3A_569, %get3A_570, %get3A_571] {strides = array<i32>} : memref<4x56x256xf32, #tpu.memory_space<vmem>>, vector<16xf32>,
        %mul3A_573 = arith.mulf %get3A_118, %get3A_572 : vector<16xf32>
        %get3A_574 = arith.constant 1 : i32
        %get3A_575 = arith.index_cast %get3A_574 : i32 to index
        %get3A_576 = arith.index_cast %scan3A_114 : i32 to index
        %get3A_577 = arith.constant 224 : index
        %get3A_578 = tpu.vector_load %arg8[%get3A_575, %get3A_576, %get3A_577] {strides = array<i32>} : memref<4x56x256xf32, #tpu.memory_space<vmem>>, vector<16xf32>,
        %mul3A_579 = arith.mulf %get3A_123, %get3A_578 : vector<16xf32>
        %add3A_580 = arith.addf %mul3A_573, %mul3A_579 : vector<16xf32>
        %get3A_581 = arith.constant 2 : i32
        %get3A_582 = arith.index_cast %get3A_581 : i32 to index
        %get3A_583 = arith.index_cast %scan3A_114 : i32 to index
        %get3A_584 = arith.constant 224 : index
        %get3A_585 = tpu.vector_load %arg8[%get3A_582, %get3A_583, %get3A_584] {strides = array<i32>} : memref<4x56x256xf32, #tpu.memory_space<vmem>>, vector<16xf32>,
        %mul3A_586 = arith.mulf %get3A_128, %get3A_585 : vector<16xf32>
        %add3A_587 = arith.addf %add3A_580, %mul3A_586 : vector<16xf32>
        %get3A_588 = arith.constant 3 : i32
        %get3A_589 = arith.index_cast %get3A_588 : i32 to index
        %get3A_590 = arith.index_cast %scan3A_114 : i32 to index
        %get3A_591 = arith.constant 224 : index
        %get3A_592 = tpu.vector_load %arg8[%get3A_589, %get3A_590, %get3A_591] {strides = array<i32>} : memref<4x56x256xf32, #tpu.memory_space<vmem>>, vector<16xf32>,
        %mul3A_593 = arith.mulf %get3A_133, %get3A_592 : vector<16xf32>
        %add3A_594 = arith.addf %add3A_587, %mul3A_593 : vector<16xf32>
        %add3A_595 = arith.constant 10976 : i32
        %add3A_596 = arith.addi %scan3A_114, %add3A_595 : i32
        %add3A_597 = vector.broadcast %add3A_596 : i32 to vector<16xi32>
        %add3A_598 = arith.addi %mul3A_5, %add3A_597 : vector<16xi32>
        tpu.vector_store_idx %arg9[%add3A_598], %add3A_594 : memref<12544xf32, #tpu.memory_space<vmem>>[vector<16xi32>], vector<16xf32>,
        %get3A_599 = arith.constant 0 : i32
        %get3A_600 = arith.index_cast %get3A_599 : i32 to index
        %get3A_601 = arith.index_cast %scan3A_114 : i32 to index
        %get3A_602 = arith.constant 240 : index
        %get3A_603 = tpu.vector_load %arg8[%get3A_600, %get3A_601, %get3A_602] {strides = array<i32>} : memref<4x56x256xf32, #tpu.memory_space<vmem>>, vector<16xf32>,
        %mul3A_604 = arith.mulf %get3A_118, %get3A_603 : vector<16xf32>
        %get3A_605 = arith.constant 1 : i32
        %get3A_606 = arith.index_cast %get3A_605 : i32 to index
        %get3A_607 = arith.index_cast %scan3A_114 : i32 to index
        %get3A_608 = arith.constant 240 : index
        %get3A_609 = tpu.vector_load %arg8[%get3A_606, %get3A_607, %get3A_608] {strides = array<i32>} : memref<4x56x256xf32, #tpu.memory_space<vmem>>, vector<16xf32>,
        %mul3A_610 = arith.mulf %get3A_123, %get3A_609 : vector<16xf32>
        %add3A_611 = arith.addf %mul3A_604, %mul3A_610 : vector<16xf32>
        %get3A_612 = arith.constant 2 : i32
        %get3A_613 = arith.index_cast %get3A_612 : i32 to index
        %get3A_614 = arith.index_cast %scan3A_114 : i32 to index
        %get3A_615 = arith.constant 240 : index
        %get3A_616 = tpu.vector_load %arg8[%get3A_613, %get3A_614, %get3A_615] {strides = array<i32>} : memref<4x56x256xf32, #tpu.memory_space<vmem>>, vector<16xf32>,
        %mul3A_617 = arith.mulf %get3A_128, %get3A_616 : vector<16xf32>
        %add3A_618 = arith.addf %add3A_611, %mul3A_617 : vector<16xf32>
        %get3A_619 = arith.constant 3 : i32
        %get3A_620 = arith.index_cast %get3A_619 : i32 to index
        %get3A_621 = arith.index_cast %scan3A_114 : i32 to index
        %get3A_622 = arith.constant 240 : index
        %get3A_623 = tpu.vector_load %arg8[%get3A_620, %get3A_621, %get3A_622] {strides = array<i32>} : memref<4x56x256xf32, #tpu.memory_space<vmem>>, vector<16xf32>,
        %mul3A_624 = arith.mulf %get3A_133, %get3A_623 : vector<16xf32>
        %add3A_625 = arith.addf %add3A_618, %mul3A_624 : vector<16xf32>
        %add3A_626 = arith.constant 11760 : i32
        %add3A_627 = arith.addi %scan3A_114, %add3A_626 : i32
        %add3A_628 = vector.broadcast %add3A_627 : i32 to vector<16xi32>
        %add3A_629 = arith.addi %mul3A_5, %add3A_628 : vector<16xi32>
        tpu.vector_store_idx %arg9[%add3A_629], %add3A_625 : memref<12544xf32, #tpu.memory_space<vmem>>[vector<16xi32>], vector<16xf32>,
      }
      %scan3A_112 = arith.constant 49 : i32
      %add3A_113 = arith.addi %mul3A_2, %scan3A_11 : i32
      "tpu.region"() ({
        %run_scoped3A = tpu.sem_alloc : memref<!tpu.dma_semaphore, #tpu.memory_space<semaphore_mem>>
        %dma_start3A_114 = arith.constant 0 : i32
        %dma_start3A_115 = tpu.memref_slice %arg5[%add3A_113, %dma_start3A_114] : memref<512x12544xf32, #tpu.memory_space<hbm>> -> memref<1x12544xf32, #tpu.memory_space<hbm>>
        %dma_start3A_116 = tpu.memref_squeeze %dma_start3A_115 : memref<1x12544xf32, #tpu.memory_space<hbm>> -> memref<12544xf32, #tpu.memory_space<hbm>>
        %dma_start3A_117 = arith.constant 0 : i32
        %dma_start3A_118 = tpu.memref_slice %arg5[%add3A_113, %dma_start3A_117] : memref<512x12544xf32, #tpu.memory_space<hbm>> -> memref<1x12544xf32, #tpu.memory_space<hbm>>
        %dma_start3A_119 = tpu.memref_squeeze %dma_start3A_118 : memref<1x12544xf32, #tpu.memory_space<hbm>> -> memref<12544xf32, #tpu.memory_space<hbm>>
        tpu.enqueue_dma source(%arg9 : memref<12544xf32, #tpu.memory_space<vmem>>) target(%dma_start3A_119 : memref<12544xf32, #tpu.memory_space<hbm>>) target_semaphore(%run_scoped3A : memref<!tpu.dma_semaphore, #tpu.memory_space<semaphore_mem>>)
        %dma_wait3A_120 = arith.constant 0 : i32
        %dma_wait3A_121 = tpu.memref_slice %arg5[%add3A_113, %dma_wait3A_120] : memref<512x12544xf32, #tpu.memory_space<hbm>> -> memref<1x12544xf32, #tpu.memory_space<hbm>>
        %dma_wait3A_122 = tpu.memref_squeeze %dma_wait3A_121 : memref<1x12544xf32, #tpu.memory_space<hbm>> -> memref<12544xf32, #tpu.memory_space<hbm>>
        %dma_wait3A_123 = arith.constant 0 : i32
        %dma_wait3A_124 = tpu.memref_slice %arg5[%add3A_113, %dma_wait3A_123] : memref<512x12544xf32, #tpu.memory_space<hbm>> -> memref<1x12544xf32, #tpu.memory_space<hbm>>
        %dma_wait3A_125 = tpu.memref_squeeze %dma_wait3A_124 : memref<1x12544xf32, #tpu.memory_space<hbm>> -> memref<12544xf32, #tpu.memory_space<hbm>>
        tpu.wait_dma2 semaphore(%run_scoped3A : memref<!tpu.dma_semaphore, #tpu.memory_space<semaphore_mem>>) src(%arg9 : memref<12544xf32, #tpu.memory_space<vmem>>) dst(%dma_wait3A_125 : memref<12544xf32, #tpu.memory_space<hbm>>)
        tpu.yield
      }) : () -> ()
    }
    %scan3A_10 = arith.constant 16 : i32
    return
  }
}

module attributes {stable_mosaic.version = 14 : i64} {
  func.func @_prep_body(%arg0: memref<512x5xf32, #tpu.memory_space<vmem>>, %arg1: memref<512x3xi32, #tpu.memory_space<vmem>>, %arg2: memref<512x49xi32, #tpu.memory_space<vmem>>, %arg3: memref<512x49xi32, #tpu.memory_space<vmem>>, %arg4: memref<512x49xi32, #tpu.memory_space<vmem>>, %arg5: memref<512x49xi32, #tpu.memory_space<vmem>>, %arg6: memref<512x49xf32, #tpu.memory_space<vmem>>, %arg7: memref<512x49xf32, #tpu.memory_space<vmem>>, %arg8: memref<512x49xf32, #tpu.memory_space<vmem>>, %arg9: memref<512x49xf32, #tpu.memory_space<vmem>>) attributes {dimension_semantics = [], scalar_prefetch = 0 : i64, scratch_operands = 0 : i64, tpu.core_type = #tpu.core_type<tc>} {
    %get3A = arith.constant 0 : index
    %get3A_0 = arith.constant 0 : index
    %get3A_1 = vector.load %arg0[%get3A, %get3A_0] : memref<512x5xf32, #tpu.memory_space<vmem>>, vector<512x5xf32>
    %get3A_2 = arith.constant 0 : index
    %get3A_3 = arith.constant 2 : index
    %get3A_4 = vector.load %arg1[%get3A_2, %get3A_3] : memref<512x3xi32, #tpu.memory_space<vmem>>, vector<512x1xi32>
    %iota3A = tpu.iota {dimensions = array<i32: 1>} : vector<512x512xi32>
    %eq3A = vector.broadcast %get3A_4 : vector<512x1xi32> to vector<512x512xi32>
    %eq3A_5 = arith.cmpi eq, %eq3A, %iota3A : vector<512x512xi32>
    %convert_element_type3A = arith.extui %eq3A_5 : vector<512x512xi1> to vector<512x512xi32>
    %convert_element_type3A_6 = arith.sitofp %convert_element_type3A : vector<512x512xi32> to vector<512x512xf32>
    %slice3A = vector.extract_strided_slice %get3A_1 {offsets = [0, 1], sizes = [512, 1], strides = [1, 1]} : vector<512x5xf32> to vector<512x1xf32>
    %squeeze3A = vector.shape_cast %slice3A : vector<512x1xf32> to vector<512xf32>
    %broadcast_in_dim3A = vector.shape_cast %squeeze3A : vector<512xf32> to vector<1x512xf32>
    %mul3A = vector.broadcast %broadcast_in_dim3A : vector<1x512xf32> to vector<512x512xf32>
    %mul3A_7 = arith.mulf %convert_element_type3A_6, %mul3A : vector<512x512xf32>
    %reduce_sum3A = arith.constant dense<0.000000e+00> : vector<512xf32>
    %reduce_sum3A_8 = vector.multi_reduction <add>, %mul3A_7, %reduce_sum3A [1] : vector<512x512xf32> to vector<512xf32>
    %broadcast_in_dim3A_9 = vector.shape_cast %reduce_sum3A_8 : vector<512xf32> to vector<512x1xf32>
    %slice3A_10 = vector.extract_strided_slice %get3A_1 {offsets = [0, 2], sizes = [512, 1], strides = [1, 1]} : vector<512x5xf32> to vector<512x1xf32>
    %squeeze3A_11 = vector.shape_cast %slice3A_10 : vector<512x1xf32> to vector<512xf32>
    %broadcast_in_dim3A_12 = vector.shape_cast %squeeze3A_11 : vector<512xf32> to vector<1x512xf32>
    %mul3A_13 = vector.broadcast %broadcast_in_dim3A_12 : vector<1x512xf32> to vector<512x512xf32>
    %mul3A_14 = arith.mulf %convert_element_type3A_6, %mul3A_13 : vector<512x512xf32>
    %reduce_sum3A_15 = arith.constant dense<0.000000e+00> : vector<512xf32>
    %reduce_sum3A_16 = vector.multi_reduction <add>, %mul3A_14, %reduce_sum3A_15 [1] : vector<512x512xf32> to vector<512xf32>
    %broadcast_in_dim3A_17 = vector.shape_cast %reduce_sum3A_16 : vector<512xf32> to vector<512x1xf32>
    %slice3A_18 = vector.extract_strided_slice %get3A_1 {offsets = [0, 3], sizes = [512, 1], strides = [1, 1]} : vector<512x5xf32> to vector<512x1xf32>
    %squeeze3A_19 = vector.shape_cast %slice3A_18 : vector<512x1xf32> to vector<512xf32>
    %broadcast_in_dim3A_20 = vector.shape_cast %squeeze3A_19 : vector<512xf32> to vector<1x512xf32>
    %mul3A_21 = vector.broadcast %broadcast_in_dim3A_20 : vector<1x512xf32> to vector<512x512xf32>
    %mul3A_22 = arith.mulf %convert_element_type3A_6, %mul3A_21 : vector<512x512xf32>
    %reduce_sum3A_23 = arith.constant dense<0.000000e+00> : vector<512xf32>
    %reduce_sum3A_24 = vector.multi_reduction <add>, %mul3A_22, %reduce_sum3A_23 [1] : vector<512x512xf32> to vector<512xf32>
    %broadcast_in_dim3A_25 = vector.shape_cast %reduce_sum3A_24 : vector<512xf32> to vector<512x1xf32>
    %slice3A_26 = vector.extract_strided_slice %get3A_1 {offsets = [0, 4], sizes = [512, 1], strides = [1, 1]} : vector<512x5xf32> to vector<512x1xf32>
    %squeeze3A_27 = vector.shape_cast %slice3A_26 : vector<512x1xf32> to vector<512xf32>
    %broadcast_in_dim3A_28 = vector.shape_cast %squeeze3A_27 : vector<512xf32> to vector<1x512xf32>
    %mul3A_29 = vector.broadcast %broadcast_in_dim3A_28 : vector<1x512xf32> to vector<512x512xf32>
    %mul3A_30 = arith.mulf %convert_element_type3A_6, %mul3A_29 : vector<512x512xf32>
    %reduce_sum3A_31 = arith.constant dense<0.000000e+00> : vector<512xf32>
    %reduce_sum3A_32 = vector.multi_reduction <add>, %mul3A_30, %reduce_sum3A_31 [1] : vector<512x512xf32> to vector<512xf32>
    %broadcast_in_dim3A_33 = vector.shape_cast %reduce_sum3A_32 : vector<512xf32> to vector<512x1xf32>
    %sub3A = arith.subf %broadcast_in_dim3A_25, %broadcast_in_dim3A_9 : vector<512x1xf32>
    %sub3A_34 = arith.subf %broadcast_in_dim3A_33, %broadcast_in_dim3A_17 : vector<512x1xf32>
    %mul3A_35 = arith.mulf %sub3A, %sub3A_34 : vector<512x1xf32>
    %max3A = arith.constant 1.000000e+00 : f32
    %max3A_36 = vector.broadcast %max3A : f32 to vector<512x1xf32>
    %max3A_37 = arith.maximumf %mul3A_35, %max3A_36 : vector<512x1xf32>
    %sqrt3A = math.sqrt %max3A_37 : vector<512x1xf32>
    %div3A = arith.constant 5.600000e+01 : f32
    %div3A_38 = vector.broadcast %div3A : f32 to vector<512x1xf32>
    %div3A_39 = arith.divf %sqrt3A, %div3A_38 : vector<512x1xf32>
    %add3A = arith.constant 9.99999997E-7 : f32
    %add3A_40 = vector.broadcast %add3A : f32 to vector<512x1xf32>
    %add3A_41 = arith.addf %div3A_39, %add3A_40 : vector<512x1xf32>
    %ge3A = arith.constant 2.000000e+00 : f32
    %ge3A_42 = vector.broadcast %ge3A : f32 to vector<512x1xf32>
    %ge3A_43 = arith.cmpf oge, %add3A_41, %ge3A_42 : vector<512x1xf32>
    %convert_element_type3A_44 = arith.extui %ge3A_43 : vector<512x1xi1> to vector<512x1xi32>
    %ge3A_45 = arith.constant 4.000000e+00 : f32
    %ge3A_46 = vector.broadcast %ge3A_45 : f32 to vector<512x1xf32>
    %ge3A_47 = arith.cmpf oge, %add3A_41, %ge3A_46 : vector<512x1xf32>
    %convert_element_type3A_48 = arith.extui %ge3A_47 : vector<512x1xi1> to vector<512x1xi32>
    %add3A_49 = arith.addi %convert_element_type3A_44, %convert_element_type3A_48 : vector<512x1xi32>
    %ge3A_50 = arith.constant 8.000000e+00 : f32
    %ge3A_51 = vector.broadcast %ge3A_50 : f32 to vector<512x1xf32>
    %ge3A_52 = arith.cmpf oge, %add3A_41, %ge3A_51 : vector<512x1xf32>
    %convert_element_type3A_53 = arith.extui %ge3A_52 : vector<512x1xi1> to vector<512x1xi32>
    %add3A_54 = arith.addi %add3A_49, %convert_element_type3A_53 : vector<512x1xi32>
    %shift_left3A = arith.constant 4 : i32
    %shift_left3A_55 = vector.broadcast %shift_left3A : i32 to vector<512x1xi32>
    %shift_left3A_56 = arith.shli %shift_left3A_55, %add3A_54 : vector<512x1xi32>
    %convert_element_type3A_57 = arith.sitofp %shift_left3A_56 : vector<512x1xi32> to vector<512x1xf32>
    %shift_right_arithmetic3A = arith.constant 112 : i32
    %shift_right_arithmetic3A_58 = vector.broadcast %shift_right_arithmetic3A : i32 to vector<512x1xi32>
    %shift_right_arithmetic3A_59 = arith.shrsi %shift_right_arithmetic3A_58, %add3A_54 : vector<512x1xi32>
    %convert_element_type3A_60 = arith.sitofp %shift_right_arithmetic3A_59 : vector<512x1xi32> to vector<512x1xf32>
    %eq3A_61 = arith.constant 0 : i32
    %eq3A_62 = vector.broadcast %eq3A_61 : i32 to vector<512x1xi32>
    %eq3A_63 = arith.cmpi eq, %add3A_54, %eq3A_62 : vector<512x1xi32>
    %eq3A_64 = arith.constant 1 : i32
    %eq3A_65 = vector.broadcast %eq3A_64 : i32 to vector<512x1xi32>
    %eq3A_66 = arith.cmpi eq, %add3A_54, %eq3A_65 : vector<512x1xi32>
    %eq3A_67 = arith.constant 2 : i32
    %eq3A_68 = vector.broadcast %eq3A_67 : i32 to vector<512x1xi32>
    %eq3A_69 = arith.cmpi eq, %add3A_54, %eq3A_68 : vector<512x1xi32>
    %jit3A = arith.constant 15680 : i32
    %jit3A_70 = arith.constant 16464 : i32
    %broadcast_in_dim3A_71 = vector.broadcast %jit3A : i32 to vector<512x1xi32>
    %broadcast_in_dim3A_72 = vector.broadcast %jit3A_70 : i32 to vector<512x1xi32>
    %select_n3A = arith.select %eq3A_69, %broadcast_in_dim3A_71, %broadcast_in_dim3A_72 : vector<512x1xi1>, vector<512x1xi32>
    %jit3A_73 = arith.constant 12544 : i32
    %broadcast_in_dim3A_74 = vector.broadcast %jit3A_73 : i32 to vector<512x1xi32>
    %select_n3A_75 = arith.select %eq3A_66, %broadcast_in_dim3A_74, %select_n3A : vector<512x1xi1>, vector<512x1xi32>
    %jit3A_76 = arith.constant 0 : i32
    %broadcast_in_dim3A_77 = vector.broadcast %jit3A_76 : i32 to vector<512x1xi32>
    %select_n3A_78 = arith.select %eq3A_63, %broadcast_in_dim3A_77, %select_n3A_75 : vector<512x1xi1>, vector<512x1xi32>
    %div3A_79 = arith.divf %broadcast_in_dim3A_9, %convert_element_type3A_57 : vector<512x1xf32>
    %div3A_80 = arith.divf %broadcast_in_dim3A_17, %convert_element_type3A_57 : vector<512x1xf32>
    %div3A_81 = arith.divf %broadcast_in_dim3A_25, %convert_element_type3A_57 : vector<512x1xf32>
    %div3A_82 = arith.divf %broadcast_in_dim3A_33, %convert_element_type3A_57 : vector<512x1xf32>
    %sub3A_83 = arith.subf %div3A_81, %div3A_79 : vector<512x1xf32>
    %max3A_84 = arith.constant 1.000000e+00 : f32
    %max3A_85 = vector.broadcast %max3A_84 : f32 to vector<512x1xf32>
    %max3A_86 = arith.maximumf %sub3A_83, %max3A_85 : vector<512x1xf32>
    %div3A_87 = arith.constant 7.000000e+00 : f32
    %div3A_88 = vector.broadcast %div3A_87 : f32 to vector<512x1xf32>
    %div3A_89 = arith.divf %max3A_86, %div3A_88 : vector<512x1xf32>
    %sub3A_90 = arith.subf %div3A_82, %div3A_80 : vector<512x1xf32>
    %max3A_91 = arith.constant 1.000000e+00 : f32
    %max3A_92 = vector.broadcast %max3A_91 : f32 to vector<512x1xf32>
    %max3A_93 = arith.maximumf %sub3A_90, %max3A_92 : vector<512x1xf32>
    %div3A_94 = arith.constant 7.000000e+00 : f32
    %div3A_95 = vector.broadcast %div3A_94 : f32 to vector<512x1xf32>
    %div3A_96 = arith.divf %max3A_93, %div3A_95 : vector<512x1xf32>
    %iota3A_97 = tpu.iota {dimensions = array<i32: 1>} : vector<1x49xi32>
    %jit3A_98 = arith.constant 7 : i32
    %eq3A_99 = arith.constant 0 : i32
    %eq3A_100 = arith.cmpi eq, %jit3A_98, %eq3A_99 : i32
    %jit3A_101 = arith.constant 1 : i32
    %select_n3A_102 = arith.select %eq3A_100, %jit3A_101, %jit3A_98 : i32
    %rem3A = vector.broadcast %select_n3A_102 : i32 to vector<1x49xi32>
    %rem3A_103 = arith.remsi %iota3A_97, %rem3A : vector<1x49xi32>
    %ne3A = arith.constant 0 : i32
    %ne3A_104 = vector.broadcast %ne3A : i32 to vector<1x49xi32>
    %ne3A_105 = arith.cmpi ne, %rem3A_103, %ne3A_104 : vector<1x49xi32>
    %lt3A = arith.constant 0 : i32
    %lt3A_106 = vector.broadcast %lt3A : i32 to vector<1x49xi32>
    %lt3A_107 = arith.cmpi slt, %rem3A_103, %lt3A_106 : vector<1x49xi32>
    %lt3A_108 = arith.constant 0 : i32
    %lt3A_109 = arith.cmpi slt, %select_n3A_102, %lt3A_108 : i32
    %ne3A_110 = vector.broadcast %lt3A_109 : i1 to vector<1x49xi1>
    %ne3A_111 = vector.broadcast %ne3A_110 : vector<1x49xi1> to vector<1x49xi1>
    %ne3A_112 = arith.xori %lt3A_107, %ne3A_111 : vector<1x49xi1>
    %and3A = arith.andi %ne3A_112, %ne3A_105 : vector<1x49xi1>
    %add3A_113 = vector.broadcast %select_n3A_102 : i32 to vector<1x49xi32>
    %add3A_114 = arith.addi %rem3A_103, %add3A_113 : vector<1x49xi32>
    %select_n3A_115 = arith.select %and3A, %add3A_114, %rem3A_103 : vector<1x49xi1>, vector<1x49xi32>
    %convert_element_type3A_116 = arith.sitofp %select_n3A_115 : vector<1x49xi32> to vector<1x49xf32>
    %add3A_117 = arith.constant 5.000000e-01 : f32
    %add3A_118 = vector.broadcast %add3A_117 : f32 to vector<1x49xf32>
    %add3A_119 = arith.addf %convert_element_type3A_116, %add3A_118 : vector<1x49xf32>
    %jit3A_120 = arith.constant 7 : i32
    %div3A_121 = vector.broadcast %jit3A_120 : i32 to vector<1x49xi32>
    %div3A_122 = arith.divsi %iota3A_97, %div3A_121 : vector<1x49xi32>
    %sign3A = arith.constant 0 : i32
    %sign3A_123 = vector.broadcast %sign3A : i32 to vector<1x49xi32>
    %sign3A_124 = arith.cmpi sgt, %iota3A_97, %sign3A_123 : vector<1x49xi32>
    %sign3A_125 = arith.extui %sign3A_124 : vector<1x49xi1> to vector<1x49xi32>
    %sign3A_126 = arith.constant 0 : i32
    %sign3A_127 = vector.broadcast %sign3A_126 : i32 to vector<1x49xi32>
    %sign3A_128 = arith.cmpi slt, %iota3A_97, %sign3A_127 : vector<1x49xi32>
    %sign3A_129 = arith.extui %sign3A_128 : vector<1x49xi1> to vector<1x49xi32>
    %sign3A_130 = arith.subi %sign3A_125, %sign3A_129 : vector<1x49xi32>
    %sign3A_131 = arith.constant 0 : i32
    %sign3A_132 = arith.cmpi sgt, %jit3A_120, %sign3A_131 : i32
    %sign3A_133 = arith.extui %sign3A_132 : i1 to i32
    %sign3A_134 = arith.constant 0 : i32
    %sign3A_135 = arith.cmpi slt, %jit3A_120, %sign3A_134 : i32
    %sign3A_136 = arith.extui %sign3A_135 : i1 to i32
    %sign3A_137 = arith.subi %sign3A_133, %sign3A_136 : i32
    %ne3A_138 = vector.broadcast %sign3A_137 : i32 to vector<1x49xi32>
    %ne3A_139 = arith.cmpi ne, %sign3A_130, %ne3A_138 : vector<1x49xi32>
    %rem3A_140 = vector.broadcast %jit3A_120 : i32 to vector<1x49xi32>
    %rem3A_141 = arith.remsi %iota3A_97, %rem3A_140 : vector<1x49xi32>
    %ne3A_142 = arith.constant 0 : i32
    %ne3A_143 = vector.broadcast %ne3A_142 : i32 to vector<1x49xi32>
    %ne3A_144 = arith.cmpi ne, %rem3A_141, %ne3A_143 : vector<1x49xi32>
    %and3A_145 = arith.andi %ne3A_139, %ne3A_144 : vector<1x49xi1>
    %sub3A_146 = arith.constant 1 : i32
    %sub3A_147 = vector.broadcast %sub3A_146 : i32 to vector<1x49xi32>
    %sub3A_148 = arith.subi %div3A_122, %sub3A_147 : vector<1x49xi32>
    %select_n3A_149 = arith.select %and3A_145, %sub3A_148, %div3A_122 : vector<1x49xi1>, vector<1x49xi32>
    %convert_element_type3A_150 = arith.sitofp %select_n3A_149 : vector<1x49xi32> to vector<1x49xf32>
    %add3A_151 = arith.constant 5.000000e-01 : f32
    %add3A_152 = vector.broadcast %add3A_151 : f32 to vector<1x49xf32>
    %add3A_153 = arith.addf %convert_element_type3A_150, %add3A_152 : vector<1x49xf32>
    %mul3A_154 = vector.broadcast %add3A_119 : vector<1x49xf32> to vector<512x49xf32>
    %mul3A_155 = vector.broadcast %div3A_89 : vector<512x1xf32> to vector<512x49xf32>
    %mul3A_156 = arith.mulf %mul3A_154, %mul3A_155 : vector<512x49xf32>
    %add3A_157 = vector.broadcast %div3A_79 : vector<512x1xf32> to vector<512x49xf32>
    %add3A_158 = arith.addf %add3A_157, %mul3A_156 : vector<512x49xf32>
    %mul3A_159 = vector.broadcast %add3A_153 : vector<1x49xf32> to vector<512x49xf32>
    %mul3A_160 = vector.broadcast %div3A_96 : vector<512x1xf32> to vector<512x49xf32>
    %mul3A_161 = arith.mulf %mul3A_159, %mul3A_160 : vector<512x49xf32>
    %add3A_162 = vector.broadcast %div3A_80 : vector<512x1xf32> to vector<512x49xf32>
    %add3A_163 = arith.addf %add3A_162, %mul3A_161 : vector<512x49xf32>
    %floor3A = math.floor %add3A_158 : vector<512x49xf32>
    %floor3A_164 = math.floor %add3A_163 : vector<512x49xf32>
    %sub3A_165 = arith.subf %add3A_158, %floor3A : vector<512x49xf32>
    %sub3A_166 = arith.subf %add3A_163, %floor3A_164 : vector<512x49xf32>
    %sub3A_167 = arith.constant 1.000000e+00 : f32
    %sub3A_168 = vector.broadcast %sub3A_167 : f32 to vector<512x1xf32>
    %sub3A_169 = arith.subf %convert_element_type3A_60, %sub3A_168 : vector<512x1xf32>
    %jit3A_170 = arith.constant 0.000000e+00 : f32
    %max3A_171 = vector.broadcast %jit3A_170 : f32 to vector<512x49xf32>
    %max3A_172 = arith.maximumf %max3A_171, %floor3A : vector<512x49xf32>
    %min3A = vector.broadcast %sub3A_169 : vector<512x1xf32> to vector<512x49xf32>
    %min3A_173 = arith.minimumf %min3A, %max3A_172 : vector<512x49xf32>
    %convert_element_type3A_174 = arith.fptosi %min3A_173 : vector<512x49xf32> to vector<512x49xi32>
    %add3A_175 = arith.constant 1.000000e+00 : f32
    %add3A_176 = vector.broadcast %add3A_175 : f32 to vector<512x49xf32>
    %add3A_177 = arith.addf %floor3A, %add3A_176 : vector<512x49xf32>
    %sub3A_178 = arith.constant 1.000000e+00 : f32
    %sub3A_179 = vector.broadcast %sub3A_178 : f32 to vector<512x1xf32>
    %sub3A_180 = arith.subf %convert_element_type3A_60, %sub3A_179 : vector<512x1xf32>
    %jit3A_181 = arith.constant 0.000000e+00 : f32
    %max3A_182 = vector.broadcast %jit3A_181 : f32 to vector<512x49xf32>
    %max3A_183 = arith.maximumf %max3A_182, %add3A_177 : vector<512x49xf32>
    %min3A_184 = vector.broadcast %sub3A_180 : vector<512x1xf32> to vector<512x49xf32>
    %min3A_185 = arith.minimumf %min3A_184, %max3A_183 : vector<512x49xf32>
    %convert_element_type3A_186 = arith.fptosi %min3A_185 : vector<512x49xf32> to vector<512x49xi32>
    %sub3A_187 = arith.constant 1.000000e+00 : f32
    %sub3A_188 = vector.broadcast %sub3A_187 : f32 to vector<512x1xf32>
    %sub3A_189 = arith.subf %convert_element_type3A_60, %sub3A_188 : vector<512x1xf32>
    %jit3A_190 = arith.constant 0.000000e+00 : f32
    %max3A_191 = vector.broadcast %jit3A_190 : f32 to vector<512x49xf32>
    %max3A_192 = arith.maximumf %max3A_191, %floor3A_164 : vector<512x49xf32>
    %min3A_193 = vector.broadcast %sub3A_189 : vector<512x1xf32> to vector<512x49xf32>
    %min3A_194 = arith.minimumf %min3A_193, %max3A_192 : vector<512x49xf32>
    %convert_element_type3A_195 = arith.fptosi %min3A_194 : vector<512x49xf32> to vector<512x49xi32>
    %add3A_196 = arith.constant 1.000000e+00 : f32
    %add3A_197 = vector.broadcast %add3A_196 : f32 to vector<512x49xf32>
    %add3A_198 = arith.addf %floor3A_164, %add3A_197 : vector<512x49xf32>
    %sub3A_199 = arith.constant 1.000000e+00 : f32
    %sub3A_200 = vector.broadcast %sub3A_199 : f32 to vector<512x1xf32>
    %sub3A_201 = arith.subf %convert_element_type3A_60, %sub3A_200 : vector<512x1xf32>
    %jit3A_202 = arith.constant 0.000000e+00 : f32
    %max3A_203 = vector.broadcast %jit3A_202 : f32 to vector<512x49xf32>
    %max3A_204 = arith.maximumf %max3A_203, %add3A_198 : vector<512x49xf32>
    %min3A_205 = vector.broadcast %sub3A_201 : vector<512x1xf32> to vector<512x49xf32>
    %min3A_206 = arith.minimumf %min3A_205, %max3A_204 : vector<512x49xf32>
    %convert_element_type3A_207 = arith.fptosi %min3A_206 : vector<512x49xf32> to vector<512x49xi32>
    %mul3A_208 = vector.broadcast %shift_right_arithmetic3A_59 : vector<512x1xi32> to vector<512x49xi32>
    %mul3A_209 = arith.muli %convert_element_type3A_195, %mul3A_208 : vector<512x49xi32>
    %add3A_210 = vector.broadcast %select_n3A_78 : vector<512x1xi32> to vector<512x49xi32>
    %add3A_211 = arith.addi %add3A_210, %mul3A_209 : vector<512x49xi32>
    %add3A_212 = arith.addi %add3A_211, %convert_element_type3A_174 : vector<512x49xi32>
    %swap3A = arith.constant 0 : index
    %swap3A_213 = arith.constant 0 : index
    %swap3A_214 = vector.load %arg2[%swap3A, %swap3A_213] : memref<512x49xi32, #tpu.memory_space<vmem>>, vector<512x49xi32>
    tpu.vector_store %arg2[%swap3A, %swap3A_213], %add3A_212 {strides = array<i32>} : memref<512x49xi32, #tpu.memory_space<vmem>>, vector<512x49xi32>,
    %mul3A_215 = vector.broadcast %shift_right_arithmetic3A_59 : vector<512x1xi32> to vector<512x49xi32>
    %mul3A_216 = arith.muli %convert_element_type3A_195, %mul3A_215 : vector<512x49xi32>
    %add3A_217 = vector.broadcast %select_n3A_78 : vector<512x1xi32> to vector<512x49xi32>
    %add3A_218 = arith.addi %add3A_217, %mul3A_216 : vector<512x49xi32>
    %add3A_219 = arith.addi %add3A_218, %convert_element_type3A_186 : vector<512x49xi32>
    %swap3A_220 = arith.constant 0 : index
    %swap3A_221 = arith.constant 0 : index
    %swap3A_222 = vector.load %arg3[%swap3A_220, %swap3A_221] : memref<512x49xi32, #tpu.memory_space<vmem>>, vector<512x49xi32>
    tpu.vector_store %arg3[%swap3A_220, %swap3A_221], %add3A_219 {strides = array<i32>} : memref<512x49xi32, #tpu.memory_space<vmem>>, vector<512x49xi32>,
    %mul3A_223 = vector.broadcast %shift_right_arithmetic3A_59 : vector<512x1xi32> to vector<512x49xi32>
    %mul3A_224 = arith.muli %convert_element_type3A_207, %mul3A_223 : vector<512x49xi32>
    %add3A_225 = vector.broadcast %select_n3A_78 : vector<512x1xi32> to vector<512x49xi32>
    %add3A_226 = arith.addi %add3A_225, %mul3A_224 : vector<512x49xi32>
    %add3A_227 = arith.addi %add3A_226, %convert_element_type3A_174 : vector<512x49xi32>
    %swap3A_228 = arith.constant 0 : index
    %swap3A_229 = arith.constant 0 : index
    %swap3A_230 = vector.load %arg4[%swap3A_228, %swap3A_229] : memref<512x49xi32, #tpu.memory_space<vmem>>, vector<512x49xi32>
    tpu.vector_store %arg4[%swap3A_228, %swap3A_229], %add3A_227 {strides = array<i32>} : memref<512x49xi32, #tpu.memory_space<vmem>>, vector<512x49xi32>,
    %mul3A_231 = vector.broadcast %shift_right_arithmetic3A_59 : vector<512x1xi32> to vector<512x49xi32>
    %mul3A_232 = arith.muli %convert_element_type3A_207, %mul3A_231 : vector<512x49xi32>
    %add3A_233 = vector.broadcast %select_n3A_78 : vector<512x1xi32> to vector<512x49xi32>
    %add3A_234 = arith.addi %add3A_233, %mul3A_232 : vector<512x49xi32>
    %add3A_235 = arith.addi %add3A_234, %convert_element_type3A_186 : vector<512x49xi32>
    %swap3A_236 = arith.constant 0 : index
    %swap3A_237 = arith.constant 0 : index
    %swap3A_238 = vector.load %arg5[%swap3A_236, %swap3A_237] : memref<512x49xi32, #tpu.memory_space<vmem>>, vector<512x49xi32>
    tpu.vector_store %arg5[%swap3A_236, %swap3A_237], %add3A_235 {strides = array<i32>} : memref<512x49xi32, #tpu.memory_space<vmem>>, vector<512x49xi32>,
    %sub3A_239 = arith.constant 1.000000e+00 : f32
    %sub3A_240 = vector.broadcast %sub3A_239 : f32 to vector<512x49xf32>
    %sub3A_241 = arith.subf %sub3A_240, %sub3A_165 : vector<512x49xf32>
    %sub3A_242 = arith.constant 1.000000e+00 : f32
    %sub3A_243 = vector.broadcast %sub3A_242 : f32 to vector<512x49xf32>
    %sub3A_244 = arith.subf %sub3A_243, %sub3A_166 : vector<512x49xf32>
    %mul3A_245 = arith.mulf %sub3A_241, %sub3A_244 : vector<512x49xf32>
    %swap3A_246 = arith.constant 0 : index
    %swap3A_247 = arith.constant 0 : index
    %swap3A_248 = vector.load %arg6[%swap3A_246, %swap3A_247] : memref<512x49xf32, #tpu.memory_space<vmem>>, vector<512x49xf32>
    tpu.vector_store %arg6[%swap3A_246, %swap3A_247], %mul3A_245 {strides = array<i32>} : memref<512x49xf32, #tpu.memory_space<vmem>>, vector<512x49xf32>,
    %sub3A_249 = arith.constant 1.000000e+00 : f32
    %sub3A_250 = vector.broadcast %sub3A_249 : f32 to vector<512x49xf32>
    %sub3A_251 = arith.subf %sub3A_250, %sub3A_166 : vector<512x49xf32>
    %mul3A_252 = arith.mulf %sub3A_165, %sub3A_251 : vector<512x49xf32>
    %swap3A_253 = arith.constant 0 : index
    %swap3A_254 = arith.constant 0 : index
    %swap3A_255 = vector.load %arg7[%swap3A_253, %swap3A_254] : memref<512x49xf32, #tpu.memory_space<vmem>>, vector<512x49xf32>
    tpu.vector_store %arg7[%swap3A_253, %swap3A_254], %mul3A_252 {strides = array<i32>} : memref<512x49xf32, #tpu.memory_space<vmem>>, vector<512x49xf32>,
    %sub3A_256 = arith.constant 1.000000e+00 : f32
    %sub3A_257 = vector.broadcast %sub3A_256 : f32 to vector<512x49xf32>
    %sub3A_258 = arith.subf %sub3A_257, %sub3A_165 : vector<512x49xf32>
    %mul3A_259 = arith.mulf %sub3A_258, %sub3A_166 : vector<512x49xf32>
    %swap3A_260 = arith.constant 0 : index
    %swap3A_261 = arith.constant 0 : index
    %swap3A_262 = vector.load %arg8[%swap3A_260, %swap3A_261] : memref<512x49xf32, #tpu.memory_space<vmem>>, vector<512x49xf32>
    tpu.vector_store %arg8[%swap3A_260, %swap3A_261], %mul3A_259 {strides = array<i32>} : memref<512x49xf32, #tpu.memory_space<vmem>>, vector<512x49xf32>,
    %mul3A_263 = arith.mulf %sub3A_165, %sub3A_166 : vector<512x49xf32>
    %swap3A_264 = arith.constant 0 : index
    %swap3A_265 = arith.constant 0 : index
    %swap3A_266 = vector.load %arg9[%swap3A_264, %swap3A_265] : memref<512x49xf32, #tpu.memory_space<vmem>>, vector<512x49xf32>
    tpu.vector_store %arg9[%swap3A_264, %swap3A_265], %mul3A_263 {strides = array<i32>} : memref<512x49xf32, #tpu.memory_space<vmem>>, vector<512x49xf32>,
    return
  }
}

</mosaic_0001>

<sc_bundles>
// kernel: kernel.4.cloned.1.call-start
scs
__scs_entry_jumppad:
0x0: {  	(pc) =	sbr.rel $0x88, $3  }
0x1: {  	(tag) =	ssettag $0x0;
	lr =	simm.s32 $0x1  }
0x2: {  	[smem:$0x3F9B] =	sst lr;
	_ =	strace $0xD0000000  }
0x3: {  	_ = 	snop  }
0x4: {  	_ = 	snop  }
0x5: {  	_ = 	snop  }
0x6: {  	_ = 	snop  }
0x7: {  	_ = 	snop  }
__scs_overlays_trampoline_lowered:
0x8: {  	[smem:$0x3FAA] =	sst s0  }
0x9: {  	[smem:$0x3FAB] =	sst s1  }
0xa: {  	[smem:$0x3FAC] =	sst s2  }
0xb: {  	[smem:$0x3FAD] =	sst s3  }
0xc: {  	[smem:$0x3FAE] =	sst s4  }
0xd: {  	[smem:$0x3FAF] =	sst s5  }
0xe: {  	[smem:$0x3FB0] =	sst s6  }
0xf: {  	[smem:$0x3FB1] =	sst s7  }
0x10: {  	[smem:$0x3FB2] =	sst s8  }
0x11: {  	[smem:$0x3FB3] =	sst s9;
	s0 =	simm.s32 @!p0 $0x0  }
0x12: {  	s1 =	sld [smem:$0x3F99];
	s0 =	simm.s32 @p0 $0x1  }
0x13: {  	[smem:$0x3FB4] =	sst s0;
	s0 =	simm.s32 @!p1 $0x0  }
0x14: {  	s2 =	sld [smem:$0x3F98];
	s0 =	simm.s32 @p1 $0x1  }
0x15: {  	[smem:$0x3FB5] =	sst s0;
	s0 =	simm.s32 @!p2 $0x0  }
0x16: {  	s3 =	sld [smem:$0x3FDB];
	s0 =	simm.s32 @p2 $0x1  }
0x17: {  	s4 =	simm.s32 $0x1BF5;
	[smem:$0x3FB7] =	sst s0  }
0x18: {  	s0 =	sld [smem:$0x3F9A];
	_ =	swait.ge [sflag:s4], $0x0  }
0x19: {  	s7 =	sld [smem:$0x3F9B]  }
0x1a: {  	s8 =	sadd.s32 $0xFFFFE003, lr  }
0x1b: {  	s9 =	sadd.s32 $0xFFFFFEF7, lr;
	s5 =	simm.s32 $0xFFFFFFFF;
	p2 =	slt.u32 s8, $0xFFFFF086  }
0x1c: {  	p1 =	slt.u32 s9, $0xF7A;
	s5 =	simm.s32 @!p2 $0x0  }
0x1d: {  	s5 =	simm.s32 @p1 $0x1;
	p0 =	seq.s32 s7, s2  }
0x1e: {  	s7 =	smul.u32 @!p0 $0xF7A, s2;
	p2 =	seq.s32 @!p0 s5, $0x0  }
0x1f: {  	s9 =	smul.u32 $0xF7A, s1;
	s8 =	simm.s32 @!p0 $0x1BF5;
	p2 =	por !p2, p0  }
0x20: {  	[sflag:s8] =	ssyncset.s32 @!p0 $0xFFFFF086;
	s6 =	sadd.s32 @!p0 s3, s7;
	s7 =	simm.s32 @!p0 $0x108  }
0x21: {  	s3 =	sadd.s32 s3, s9;
	s6 =	sadd.s32 @!p0 $0x88, s6;
	s7 =	simm.s32 @p2 $0x1082  }
0x22: {  	[simem:s7], [sflag:s8] =	dma.local @!p0 [hbm:s6], $0xF7A  }
0x23: {  	s9 =	sor.u32 $0xD0000000, s2;
	s6 =	simm.s32 $0x108;
	_ =	swait.ge @!p0 [sflag:s8], $0x0  }
0x24: {  	s3 =	sadd.s32 $0x88, s3;
	s6 =	simm.s32 @!p1 $0x1082;
	[sflag:s4] =	ssyncset.s32 $0xFFFFF086  }
0x25: {  	[simem:s6], [sflag:s4] =	dma.local [hbm:s3], $0xF7A  }
0x26: {  	[smem:$0x3F9B] =	sst s1;
	(tag) =	ssettag s2;
	_ =	strace s9  }
0x27: {  	s1 =	sld [smem:$0x3FAB]  }
0x28: {  	s2 =	sld [smem:$0x3FAC]  }
0x29: {  	s4 =	sld [smem:$0x3FAE]  }
0x2a: {  	p0 =	seq.s32 s5, $0x0;
	s5 =	sld [smem:$0x3FAF]  }
0x2b: {  	s6 =	sld [smem:$0x3FB0]  }
0x2c: {  	s7 =	sld [smem:$0x3FB1]  }
0x2d: {  	s3 =	simm.s32 $0x108;
	s8 =	sld [smem:$0x3FB2]  }
0x2e: {  	s3 =	simm.s32 @!p0 $0x1082;
	s9 =	sld [smem:$0x3FB3]  }
0x2f: {  	lr =	sadd.s32 s0, s3;
	s0 =	sld [smem:$0x3FAA]  }
0x30: {  	s3 =	sld [smem:$0x3FAD]  }
0x31: {  	[smem:$0x3FB6] =	sst s10  }
0x32: {  	s10 =	sld [smem:$0x3FB4];
	_ =	sdelay $0x3  }
0x33: {  	p0 =	seq.s32 s10, $0x1;
	s10 =	sld [smem:$0x3FB6];
	_ =	sdelay $0x3  }
0x34: {  	[smem:$0x3FB6] =	sst s10  }
0x35: {  	s10 =	sld [smem:$0x3FB5];
	_ =	sdelay $0x3  }
0x36: {  	p1 =	seq.s32 s10, $0x1;
	s10 =	sld [smem:$0x3FB6];
	_ =	sdelay $0x3  }
0x37: {  	[smem:$0x3FB6] =	sst s10  }
0x38: {  	s10 =	sld [smem:$0x3FB7]  }
0x39: {  	_ = 	snop;
	(pc) =	sbr.ind lr, $3  }
0x3a: {  	_ = 	snop  }
0x3b: {  	_ = 	snop  }
0x3c: {  	p2 =	seq.s32 s10, $0x1;
	s10 =	sld [smem:$0x3FB6]  }
0x3d: {  	_ =	shalt  }
0x3e: {  	_ =	shalt  }
0x3f: {  	_ =	shalt  }
0x40: {  	_ =	shalt  }
0x41: {  	_ =	shalt  }
0x42: {  	_ =	shalt  }
0x43: {  	_ =	shalt  }
0x44: {  	_ =	shalt  }
0x45: {  	_ =	shalt  }
0x46: {  	_ =	shalt  }
0x47: {  	_ =	shalt  }
0x48: {  	_ =	shalt  }
0x49: {  	_ =	shalt  }
0x4a: {  	_ =	shalt  }
0x4b: {  	_ =	shalt  }
0x4c: {  	_ =	shalt  }
0x4d: {  	_ =	shalt  }
0x4e: {  	_ =	shalt  }
0x4f: {  	_ =	shalt  }
0x50: {  	_ =	shalt  }
0x51: {  	_ =	shalt  }
0x52: {  	_ =	shalt  }
0x53: {  	_ =	shalt  }
0x54: {  	_ =	shalt  }
0x55: {  	_ =	shalt  }
0x56: {  	_ =	shalt  }
0x57: {  	_ =	shalt  }
0x58: {  	_ =	shalt  }
0x59: {  	_ =	shalt  }
0x5a: {  	_ =	shalt  }
0x5b: {  	_ =	shalt  }
0x5c: {  	_ =	shalt  }
0x5d: {  	_ =	shalt  }
0x5e: {  	_ =	shalt  }
0x5f: {  	_ =	shalt  }
0x60: {  	_ =	shalt  }
0x61: {  	_ =	shalt  }
0x62: {  	_ =	shalt  }
0x63: {  	_ =	shalt  }
0x64: {  	_ =	shalt  }
0x65: {  	_ =	shalt  }
0x66: {  	_ =	shalt  }
0x67: {  	_ =	shalt  }
0x68: {  	_ =	shalt  }
0x69: {  	_ =	shalt  }
0x6a: {  	_ =	shalt  }
0x6b: {  	_ =	shalt  }
0x6c: {  	_ =	shalt  }
0x6d: {  	_ =	shalt  }
0x6e: {  	_ =	shalt  }
0x6f: {  	_ =	shalt  }
0x70: {  	_ =	shalt  }
0x71: {  	_ =	shalt  }
0x72: {  	_ =	shalt  }
0x73: {  	_ =	shalt  }
0x74: {  	_ =	shalt  }
0x75: {  	_ =	shalt  }
0x76: {  	_ =	shalt  }
0x77: {  	_ =	shalt  }
0x78: {  	_ =	shalt  }
0x79: {  	_ =	shalt  }
0x7a: {  	_ =	shalt  }
0x7b: {  	_ =	shalt  }
0x7c: {  	_ =	shalt  }
0x7d: {  	_ =	shalt  }
0x7e: {  	_ =	shalt  }
0x7f: {  	_ =	shalt  }
0x80: {  	_ =	shalt  }
0x81: {  	_ =	shalt  }
0x82: {  	_ =	shalt  }
0x83: {  	_ =	shalt  }
0x84: {  	_ =	shalt  }
0x85: {  	_ =	shalt  }
0x86: {  	_ =	shalt  }
0x87: {  	_ =	shalt  }
.Lfunc_end0:
.L_simem_size_0:
called_computation_lowered:
.L_overlay_start_0:
0x88: {  	s2 =	sld [smem:$0x3FD9]  }
0x89: {  	s3 =	sld [smem:$0x3FFE];
	_ =	sdelay $0x1  }
0x8a: {  	s1 =	srdreg.scid  }
0x8b: {  	s0 =	sand.u32 $0x1, s1  }
0x8c: {  	s17 =	sshll.u32 s0, $0xA;
	s2 =	sadd.s32 s3, s2  }
0x8d: {  	s2 =	sadd.s32 s2, s17  }
0x8e: {  	[smem:$0x3FC2] =	sst s2  }
0x8f: {  	_ = 	snop  }
0x90: {  	s2 =	sld [smem:$0x3FD0];
	(tm) =	ssettm $0x1  }
0x91: {  	s18 =	sld [smem:$0x3FFB];
	_ =	sdelay $0x3  }
0x92: {  	_ =	strace s18  }
0x93: {  	s3 =	sld [smem:$0x3FFC];
	_ =	sdelay $0x3  }
0x94: {  	_ =	strace s3  }
0x95: {  	s3 =	sld [smem:$0x3FFD];
	_ =	sdelay $0x3  }
0x96: {  	_ =	strace s3  }
0x97: {  	_ =	strace $0x8FFFFFFF  }
0x98: {  	s19 =	sld [smem:$0x3FDB];
	_ =	sdelay $0x1  }
0x99: {  	s4 =	simm.s32 $_scs_section_size  }
0x9a: {  	s5 =	simm.s32 $_size__tile_overlayer_lowered;
	s6 =	simm.s32 $_tile_overlayer_lowered  }
0x9b: {  	s22 =	simm.s32 $0x1BFF;
	s21 =	sshll.u32 s6, $0x1;
	s3 =	sadd.s32 s4, s19  }
0x9c: {  	s7 =	simm.s32 $0x0;
	s20 =	sshll.u32 s5, $0x1;
	s5 =	sadd.s32 s21, s3  }
0x9d: {  	[timem:s7], [sflag:s22] =	dma.local [hbm:s5], s20  }
0x9e: {  	_ =	swait.ge [sflag:s22], s20  }
0x9f: {  	s4 =	ssub.s32 $0x0, s20;
	[sflag:s22] =	ssyncset.done $0x0  }
0xa0: {  	[sflag:s22] =	ssyncadd.s32 s4;
	_ =	sdelay $0x1  }
0xa1: {  	s23 =	simm.s32 $0x1B8B  }
0xa2: {  	_ =	swait.ge [sflag:s23], $0x1  }
0xa3: {  	[sflag:s23] =	ssyncset.done $0x0  }
0xa4: {  	s25 =	simm.s32 $0x1B8E;
	s24 =	sld [smem:$0x3FFE];
	[sflag:s23] =	ssyncadd.s32 $0xFFFFFFFF  }
0xa5: {  	s26 =	simm.s32 $execute0_lowered;
	[smem:$0x3FD2] =	sst s25  }
0xa6: {  	s5 =	sshll.u32 s26, $0x1;
	_ =	strace $0x80000046;
	[dreg:$0x1] =	wrdreg $0xFFFFFFFF  }
0xa7: {  	s28 =	simm.s32 $_size_execute0_lowered;
	s3 =	sadd.s32 s3, s5;
	[dreg:$0x0] =	wrdreg $0x0  }
0xa8: {  	s5 =	sshll.u32 s28, $0x1;
	[dreg:$0x2] =	wrdreg s3  }
0xa9: {  	[dreg:$0x3] =	wrdreg s5  }
0xaa: {  	[dreg:$0x4] =	wrdreg $0xC0  }
0xab: {  	_ =	task [dreg:s7], $0x5FFFF  }
0xac: {  	[dreg:$0x1] =	wrdreg $0xFFFFFFFF  }
0xad: {  	[dreg:$0x0] =	wrdreg $0x60  }
0xae: {  	[dreg:$0x2] =	wrdreg s24  }
0xaf: {  	[dreg:$0x3] =	wrdreg s2  }
0xb0: {  	[dreg:$0x4] =	wrdreg $0x9  }
0xb1: {  	_ =	task.clear_ibuf [dreg:s7], $0x5FFFF;
	_ =	strace $0x90000046  }
0xb2: {  	s29 =	simm.s32 $0x9;
	_ =	strace $0x80000048  }
0xb3: {  	_ =	swait.ge [sflag:s29], $0x1  }
0xb4: {  	[sflag:s29] =	ssyncadd.s32 $0xFFFFFFFF  }
0xb5: {  	_ =	strace $0x90000048  }
0xb6: {  	_ =	sfence  }
0xb7: {  	s30 =	sld [smem:$0x0];
	_ =	sdelay $0x2  }
0xb8: {  	s31 =	sshll.u32 s1, $0xD;
	s1 =	sshrl.u32 s1, $0x2  }
0xb9: {  	s3 =	sand.u32 $0x4000, s31;
	s1 =	sadd.s32 s1, s30  }
0xba: {  	s0 =	sor.u32 s3, s0;
	s1 =	sshll.u32 s1, $0x11  }
0xbb: {  	s0 =	sor.u32 s1, s0  }
0xbc: {  	s0 =	sadd.s32 $0x8F2B, s0  }
0xbd: {  	[sflag:s0] =	ssyncadd.remote.s32 $0x1  }
0xbe: {  	_ =	sfence.sel $0xFFFF  }
0xbf: {  	[dreg:$0x0] =	wrdreg $0xFFFFFFFF;
	(pc) =	sbr.abs _section_cstart, $3  }
0xc0: {  	[dreg:$0x1] =	wrdreg $0xFFFFFFFF  }
0xc1: {  	_ =	task.clear_ibuf [dreg:s7], $0x2FFFF;
	_ =	strace $0x9FFFFFFF  }
0xc2: {  	(tm) =	ssettm $0x7FFFFFFF  }
0xc3: {  	_ =	shalt  }
tec
execute0_lowered:
.L_overlay_start_1:
0x0: {  	(tag) =	ssettag $0x1  }
0x1: {  	s0 =	rddreg [dreg:$0x0];
	s1 =	srdreg.scid;
	s3 =	simm.s32 $0x0  }
0x2: {  	s2 =	stileid.u32;
	s9 =	simm.s32 $0x2;
	s28 =	simm.s32 $0x10400  }
0x3: {  	s29 =	simm.s32 $0x10C00;
	s30 =	simm.s32 $0x11400;
	s31 =	simm.s32 $0x11C00  }
0x4: {  	s7 =	simm.s32 $0x13C00;
	s8 =	simm.s32 $0x14400;
	s10 =	simm.s32 $0x15400  }
0x5: {  	s11 =	simm.s32 $0x15C00;
	s12 =	simm.s32 $0x1;
	s13 =	simm.s32 $0x16400  }
0x6: {  	s14 =	simm.s32 $0x80;
	s15 =	simm.s32 $0x400;
	s17 =	simm.s32 $0x0  }
0x7: {  	s1 =	sand.u32 $0x1, s1;
	[smem:$0x7FF] =	sst s3;
	s2 =	sshll.u32 s2, $0x5  }
0x8: {  	s5 =	sadd.s32 $0x8000, s0;
	s24 =	sshll.u32 s1, $0x4;
	s1 =	ssub.s32 $0x2, s1  }
0x9: {  	s6 =	sadd.s32 $0x8A400, s0;
	s4 =	sor.u32 s24, s2;
	s25 =	sshrl.u32 s1, $0x1  }
0xa: {  	_ =	strace $0x80000047;
	s3 =	sshll.u32 s4, $0x6;
	s1 =	ssub.s32 s1, s25  }
0xb: {  	v3 =	vlaneseq.u32;
	s2 =	simm.s32 $0x14C00;
	s0 =	sadd.s32 s0, s3;
	s26 =	smax.u32 s1, $0x1  }
0xc: {  	vm0 =	vmmov $0xffff;
	v1 =	vshrl.u32 v3, $0x3;
	v0 =	vand.u32 $0x7, v3;
	s1 =	simm.s32 $0x12C00;
	s3 =	simm.s32 $0x13400;
	[dreg:$0x3] =	wrdreg s0  }
0xd: {  	v2 =	vor.u32 $0x8, v3;
	v3 =	vmul.u32 $0x31, v3;
	v1 =	vmul.u32 $0x8, v1;
	[dreg:$0x4] =	wrdreg s26;
	s26 =	simm.s32 $0xFC00;
	s0 =	simm.s32 $0x12400  }
.LBB2_1:
0xe: {  	[dreg:$0x5] =	wrdreg s17  }
0xf: {  	s16 =	simm.s32 $0x0;
	s25 =	rddreg [dreg:$0x3]  }
0x10: {  	[tilespmem:s16], [sflag:$0x2] =	stream.linear.gather [hbm4b:s25+s16], $0x2000, $0x38;
	[tilespmem:$0x19500] =	vst v63  }
0x11: {  	_ =	swait.ge [sflag:s9], $0x2000  }
0x12: {  	[sflag:s9] =	ssyncset.done $0x0  }
0x13: {  	s16 =	simm.s32 $0x0;
	[sflag:s9] =	ssyncadd.s32 $0xFFFFE000  }
.LBB2_2:
0x14: {  	s17 =	sor.u32 s4, s16  }
0x15: {  	s18 =	smul.u32 $0xC80, s17;
	_ =	sdelay $0x1  }
0x16: {  	s20 =	simm.s32 $0x2000;
	s19 =	sadd.s32 s6, s18;
	s18 =	simm.s32 $0x0  }
0x17: {  	[tilespmem:s20], [sflag:$0x2] =	stream.linear.gather [hbm4b:s19+s18], $0x6200, $0x38;
	[tilespmem:$0x19500] =	vst v63  }
0x18: {  	_ =	swait.ge [sflag:s9], $0x6200  }
0x19: {  	s20 =	sshll.u32 s16, $0x9;
	[sflag:s9] =	ssyncset.done $0x0  }
0x1a: {  	s19 =	sand.u32 $0x3FFFFE00, s20;
	[sflag:s9] =	ssyncadd.s32 $0xFFFF9E00  }
0x1b: {  	v4 =	vld [tilespmem:s19+$0x0];
	_ =	sdelay $0x4  }
0x1c: {  	v5 =	vshll.u32 v4, $0x1  }
0x1d: {  	v4 =	vand.u32 $0x7, v4;
	v5 =	vand.u32 $0xFFFFFFF0, v5  }
0x1e: {  	v4 =	vor.u32 v4, v5  }
0x1f: {  	v5 =	vperm.xlane v4, v0;
	_ =	sdelay $0x1  }
0x20: {  	v4 =	vperm.xlane v4, v2;
	v5 =	vadd.s32 v1, v5;
	_ =	sdelay $0x1  }
0x21: {  	v4 =	vadd.s32 v1, v4;
	_ =	sdelay $0x1  }
0x22: {  	s21 =	simm.s32 $0x8400  }
0x23: {  	[tilespmem:s21], [sflag:$0x1] =	stream.indirect_vreg.gather [hbm4b:s5+s18], $0x80, v5, vm0, $0xb8;
	[tilespmem:$0x19500] =	vst v63  }
0x24: {  	s22 =	simm.s32 $0x8C00  }
0x25: {  	[tilespmem:s22], [sflag:$0x1] =	stream.indirect_vreg.gather [hbm4b:s5+s18], $0x80, v4, vm0, $0xb8;
	[tilespmem:$0x19500] =	vst v63  }
0x26: {  	v4 =	vld [tilespmem:s19+$0x10];
	_ =	sdelay $0x4  }
0x27: {  	v5 =	vshll.u32 v4, $0x1  }
0x28: {  	v4 =	vand.u32 $0x7, v4;
	v5 =	vand.u32 $0xFFFFFFF0, v5  }
0x29: {  	v4 =	vor.u32 v4, v5  }
0x2a: {  	v5 =	vperm.xlane v4, v0;
	_ =	sdelay $0x1  }
0x2b: {  	v4 =	vperm.xlane v4, v2;
	v5 =	vadd.s32 v1, v5;
	_ =	sdelay $0x1  }
0x2c: {  	v4 =	vadd.s32 v1, v4;
	_ =	sdelay $0x1  }
0x2d: {  	s23 =	simm.s32 $0x9400  }
0x2e: {  	[tilespmem:s23], [sflag:$0x1] =	stream.indirect_vreg.gather [hbm4b:s5+s18], $0x80, v5, vm0, $0xb8;
	[tilespmem:$0x19500] =	vst v63  }
0x2f: {  	s24 =	simm.s32 $0x9C00  }
0x30: {  	[tilespmem:s24], [sflag:$0x1] =	stream.indirect_vreg.gather [hbm4b:s5+s18], $0x80, v4, vm0, $0xb8;
	[tilespmem:$0x19500] =	vst v63  }
0x31: {  	v4 =	vld [tilespmem:s19+$0x20];
	_ =	sdelay $0x4  }
0x32: {  	v5 =	vshll.u32 v4, $0x1  }
0x33: {  	v4 =	vand.u32 $0x7, v4;
	v5 =	vand.u32 $0xFFFFFFF0, v5  }
0x34: {  	v4 =	vor.u32 v4, v5  }
0x35: {  	v5 =	vperm.xlane v4, v0;
	_ =	sdelay $0x1  }
0x36: {  	v4 =	vperm.xlane v4, v2;
	v5 =	vadd.s32 v1, v5;
	_ =	sdelay $0x1  }
0x37: {  	v4 =	vadd.s32 v1, v4;
	_ =	sdelay $0x1  }
0x38: {  	s25 =	simm.s32 $0xA400  }
0x39: {  	[tilespmem:s25], [sflag:$0x1] =	stream.indirect_vreg.gather [hbm4b:s5+s18], $0x80, v5, vm0, $0xb8;
	[tilespmem:$0x19500] =	vst v63  }
0x3a: {  	s21 =	simm.s32 $0xAC00;
	s22 =	sor.u32 $0x30, s19  }
0x3b: {  	[tilespmem:s21], [sflag:$0x1] =	stream.indirect_vreg.gather [hbm4b:s5+s18], $0x80, v4, vm0, $0xb8;
	[tilespmem:$0x19500] =	vst v63  }
0x3c: {  	v4 =	vld.msk [tilespmem:s22+$0x0], $0xff;
	_ =	sdelay $0x4  }
0x3d: {  	v5 =	vshll.u32 v4, $0x1  }
0x3e: {  	v4 =	vand.u32 $0x7, v4;
	v5 =	vand.u32 $0xFFFFFFF0, v5  }
0x3f: {  	v4 =	vor.u32 v4, v5  }
0x40: {  	v4 =	vperm.xlane v4, v0;
	_ =	sdelay $0x1  }
0x41: {  	v4 =	vadd.s32 v1, v4;
	_ =	sdelay $0x3  }
0x42: {  	s23 =	simm.s32 $0xB400  }
0x43: {  	[tilespmem:s23], [sflag:$0x1] =	stream.indirect_vreg.gather [hbm4b:s5+s18], $0x80, v4, vm0, $0xb8;
	[tilespmem:$0x19500] =	vst v63  }
0x44: {  	v4 =	vld [tilespmem:s19+$0x80];
	_ =	sdelay $0x4  }
0x45: {  	v5 =	vshll.u32 v4, $0x1  }
0x46: {  	v4 =	vand.u32 $0x7, v4;
	v5 =	vand.u32 $0xFFFFFFF0, v5  }
0x47: {  	v4 =	vor.u32 v4, v5  }
0x48: {  	v5 =	vperm.xlane v4, v0;
	_ =	sdelay $0x1  }
0x49: {  	v4 =	vperm.xlane v4, v2;
	v5 =	vadd.s32 v1, v5;
	_ =	sdelay $0x1  }
0x4a: {  	v4 =	vadd.s32 v1, v4;
	_ =	sdelay $0x1  }
0x4b: {  	s24 =	simm.s32 $0xBC00  }
0x4c: {  	[tilespmem:s24], [sflag:$0x1] =	stream.indirect_vreg.gather [hbm4b:s5+s18], $0x80, v5, vm0, $0xb8;
	[tilespmem:$0x19500] =	vst v63  }
0x4d: {  	s25 =	simm.s32 $0xC400  }
0x4e: {  	[tilespmem:s25], [sflag:$0x1] =	stream.indirect_vreg.gather [hbm4b:s5+s18], $0x80, v4, vm0, $0xb8;
	[tilespmem:$0x19500] =	vst v63  }
0x4f: {  	v4 =	vld [tilespmem:s19+$0x90];
	_ =	sdelay $0x4  }
0x50: {  	v5 =	vshll.u32 v4, $0x1  }
0x51: {  	v4 =	vand.u32 $0x7, v4;
	v5 =	vand.u32 $0xFFFFFFF0, v5  }
0x52: {  	v4 =	vor.u32 v4, v5  }
0x53: {  	v5 =	vperm.xlane v4, v0;
	_ =	sdelay $0x1  }
0x54: {  	v4 =	vperm.xlane v4, v2;
	v5 =	vadd.s32 v1, v5;
	_ =	sdelay $0x1  }
0x55: {  	v4 =	vadd.s32 v1, v4;
	_ =	sdelay $0x1  }
0x56: {  	s21 =	simm.s32 $0xCC00  }
0x57: {  	[tilespmem:s21], [sflag:$0x1] =	stream.indirect_vreg.gather [hbm4b:s5+s18], $0x80, v5, vm0, $0xb8;
	[tilespmem:$0x19500] =	vst v63  }
0x58: {  	s22 =	simm.s32 $0xD400  }
0x59: {  	[tilespmem:s22], [sflag:$0x1] =	stream.indirect_vreg.gather [hbm4b:s5+s18], $0x80, v4, vm0, $0xb8;
	[tilespmem:$0x19500] =	vst v63  }
0x5a: {  	v4 =	vld [tilespmem:s19+$0xA0];
	_ =	sdelay $0x4  }
0x5b: {  	v5 =	vshll.u32 v4, $0x1  }
0x5c: {  	v4 =	vand.u32 $0x7, v4;
	v5 =	vand.u32 $0xFFFFFFF0, v5  }
0x5d: {  	v4 =	vor.u32 v4, v5  }
0x5e: {  	v5 =	vperm.xlane v4, v0;
	_ =	sdelay $0x1  }
0x5f: {  	v4 =	vperm.xlane v4, v2;
	v5 =	vadd.s32 v1, v5;
	_ =	sdelay $0x1  }
0x60: {  	v4 =	vadd.s32 v1, v4;
	_ =	sdelay $0x1  }
0x61: {  	s23 =	simm.s32 $0xDC00  }
0x62: {  	[tilespmem:s23], [sflag:$0x1] =	stream.indirect_vreg.gather [hbm4b:s5+s18], $0x80, v5, vm0, $0xb8;
	[tilespmem:$0x19500] =	vst v63  }
0x63: {  	s24 =	simm.s32 $0xE400;
	s25 =	sor.u32 $0xB0, s19  }
0x64: {  	[tilespmem:s24], [sflag:$0x1] =	stream.indirect_vreg.gather [hbm4b:s5+s18], $0x80, v4, vm0, $0xb8;
	[tilespmem:$0x19500] =	vst v63  }
0x65: {  	v4 =	vld.msk [tilespmem:s25+$0x0], $0xff;
	_ =	sdelay $0x4  }
0x66: {  	v5 =	vshll.u32 v4, $0x1  }
0x67: {  	v4 =	vand.u32 $0x7, v4;
	v5 =	vand.u32 $0xFFFFFFF0, v5  }
0x68: {  	v4 =	vor.u32 v4, v5  }
0x69: {  	v4 =	vperm.xlane v4, v0;
	_ =	sdelay $0x1  }
0x6a: {  	v4 =	vadd.s32 v1, v4;
	_ =	sdelay $0x3  }
0x6b: {  	s21 =	simm.s32 $0xEC00  }
0x6c: {  	[tilespmem:s21], [sflag:$0x1] =	stream.indirect_vreg.gather [hbm4b:s5+s18], $0x80, v4, vm0, $0xb8;
	[tilespmem:$0x19500] =	vst v63  }
0x6d: {  	v4 =	vld [tilespmem:s19+$0x100];
	_ =	sdelay $0x4  }
0x6e: {  	v5 =	vshll.u32 v4, $0x1  }
0x6f: {  	v4 =	vand.u32 $0x7, v4;
	v5 =	vand.u32 $0xFFFFFFF0, v5  }
0x70: {  	v4 =	vor.u32 v4, v5  }
0x71: {  	v5 =	vperm.xlane v4, v0;
	_ =	sdelay $0x1  }
0x72: {  	v4 =	vperm.xlane v4, v2;
	v5 =	vadd.s32 v1, v5;
	_ =	sdelay $0x1  }
0x73: {  	v4 =	vadd.s32 v1, v4;
	_ =	sdelay $0x1  }
0x74: {  	s22 =	simm.s32 $0xF400  }
0x75: {  	[tilespmem:s22], [sflag:$0x1] =	stream.indirect_vreg.gather [hbm4b:s5+s18], $0x80, v5, vm0, $0xb8;
	[tilespmem:$0x19500] =	vst v63  }
0x76: {  	_ = 	snop  }
0x77: {  	[tilespmem:s26], [sflag:$0x1] =	stream.indirect_vreg.gather [hbm4b:s5+s18], $0x80, v4, vm0, $0xb8;
	[tilespmem:$0x19500] =	vst v63  }
0x78: {  	v4 =	vld [tilespmem:s19+$0x110];
	_ =	sdelay $0x4  }
0x79: {  	v5 =	vshll.u32 v4, $0x1  }
0x7a: {  	v4 =	vand.u32 $0x7, v4;
	v5 =	vand.u32 $0xFFFFFFF0, v5  }
0x7b: {  	v4 =	vor.u32 v4, v5  }
0x7c: {  	v5 =	vperm.xlane v4, v0;
	_ =	sdelay $0x1  }
0x7d: {  	v4 =	vperm.xlane v4, v2;
	v5 =	vadd.s32 v1, v5;
	_ =	sdelay $0x1  }
0x7e: {  	v4 =	vadd.s32 v1, v4;
	_ =	sdelay $0x2  }
0x7f: {  	[tilespmem:s28], [sflag:$0x1] =	stream.indirect_vreg.gather [hbm4b:s5+s18], $0x80, v5, vm0, $0xb8;
	[tilespmem:$0x19500] =	vst v63  }
0x80: {  	_ = 	snop  }
0x81: {  	[tilespmem:s29], [sflag:$0x1] =	stream.indirect_vreg.gather [hbm4b:s5+s18], $0x80, v4, vm0, $0xb8;
	[tilespmem:$0x19500] =	vst v63  }
0x82: {  	v4 =	vld [tilespmem:s19+$0x120];
	_ =	sdelay $0x4  }
0x83: {  	v5 =	vshll.u32 v4, $0x1  }
0x84: {  	v4 =	vand.u32 $0x7, v4;
	v5 =	vand.u32 $0xFFFFFFF0, v5  }
0x85: {  	v4 =	vor.u32 v4, v5  }
0x86: {  	v5 =	vperm.xlane v4, v0;
	_ =	sdelay $0x1  }
0x87: {  	v4 =	vperm.xlane v4, v2;
	v5 =	vadd.s32 v1, v5;
	_ =	sdelay $0x1  }
0x88: {  	v4 =	vadd.s32 v1, v4;
	_ =	sdelay $0x2  }
0x89: {  	[tilespmem:s30], [sflag:$0x1] =	stream.indirect_vreg.gather [hbm4b:s5+s18], $0x80, v5, vm0, $0xb8;
	[tilespmem:$0x19500] =	vst v63  }
0x8a: {  	s23 =	sor.u32 $0x130, s19  }
0x8b: {  	[tilespmem:s31], [sflag:$0x1] =	stream.indirect_vreg.gather [hbm4b:s5+s18], $0x80, v4, vm0, $0xb8;
	[tilespmem:$0x19500] =	vst v63  }
0x8c: {  	v4 =	vld.msk [tilespmem:s23+$0x0], $0xff;
	_ =	sdelay $0x4  }
0x8d: {  	v5 =	vshll.u32 v4, $0x1  }
0x8e: {  	v4 =	vand.u32 $0x7, v4;
	v5 =	vand.u32 $0xFFFFFFF0, v5  }
0x8f: {  	v4 =	vor.u32 v4, v5  }
0x90: {  	v4 =	vperm.xlane v4, v0;
	_ =	sdelay $0x1  }
0x91: {  	v4 =	vadd.s32 v1, v4;
	_ =	sdelay $0x4  }
0x92: {  	[tilespmem:s0], [sflag:$0x1] =	stream.indirect_vreg.gather [hbm4b:s5+s18], $0x80, v4, vm0, $0xb8;
	[tilespmem:$0x19500] =	vst v63  }
0x93: {  	v4 =	vld [tilespmem:s19+$0x180];
	_ =	sdelay $0x4  }
0x94: {  	v5 =	vshll.u32 v4, $0x1  }
0x95: {  	v4 =	vand.u32 $0x7, v4;
	v5 =	vand.u32 $0xFFFFFFF0, v5  }
0x96: {  	v4 =	vor.u32 v4, v5  }
0x97: {  	v5 =	vperm.xlane v4, v0;
	_ =	sdelay $0x1  }
0x98: {  	v4 =	vperm.xlane v4, v2;
	v5 =	vadd.s32 v1, v5;
	_ =	sdelay $0x1  }
0x99: {  	v4 =	vadd.s32 v1, v4;
	_ =	sdelay $0x2  }
0x9a: {  	[tilespmem:s1], [sflag:$0x1] =	stream.indirect_vreg.gather [hbm4b:s5+s18], $0x80, v5, vm0, $0xb8;
	[tilespmem:$0x19500] =	vst v63  }
0x9b: {  	_ = 	snop  }
0x9c: {  	[tilespmem:s3], [sflag:$0x1] =	stream.indirect_vreg.gather [hbm4b:s5+s18], $0x80, v4, vm0, $0xb8;
	[tilespmem:$0x19500] =	vst v63  }
0x9d: {  	v4 =	vld [tilespmem:s19+$0x190];
	_ =	sdelay $0x4  }
0x9e: {  	v5 =	vshll.u32 v4, $0x1  }
0x9f: {  	v4 =	vand.u32 $0x7, v4;
	v5 =	vand.u32 $0xFFFFFFF0, v5  }
0xa0: {  	v4 =	vor.u32 v4, v5  }
0xa1: {  	v5 =	vperm.xlane v4, v0;
	_ =	sdelay $0x1  }
0xa2: {  	v4 =	vperm.xlane v4, v2;
	v5 =	vadd.s32 v1, v5;
	_ =	sdelay $0x1  }
0xa3: {  	v4 =	vadd.s32 v1, v4;
	_ =	sdelay $0x2  }
0xa4: {  	[tilespmem:s7], [sflag:$0x1] =	stream.indirect_vreg.gather [hbm4b:s5+s18], $0x80, v5, vm0, $0xb8;
	[tilespmem:$0x19500] =	vst v63  }
0xa5: {  	_ = 	snop  }
0xa6: {  	[tilespmem:s8], [sflag:$0x1] =	stream.indirect_vreg.gather [hbm4b:s5+s18], $0x80, v4, vm0, $0xb8;
	[tilespmem:$0x19500] =	vst v63  }
0xa7: {  	v4 =	vld [tilespmem:s19+$0x1A0];
	_ =	sdelay $0x4  }
0xa8: {  	v5 =	vshll.u32 v4, $0x1  }
0xa9: {  	v4 =	vand.u32 $0x7, v4;
	v5 =	vand.u32 $0xFFFFFFF0, v5  }
0xaa: {  	v4 =	vor.u32 v4, v5  }
0xab: {  	v5 =	vperm.xlane v4, v0;
	_ =	sdelay $0x1  }
0xac: {  	v4 =	vperm.xlane v4, v2;
	v5 =	vadd.s32 v1, v5;
	_ =	sdelay $0x1  }
0xad: {  	v4 =	vadd.s32 v1, v4;
	_ =	sdelay $0x2  }
0xae: {  	[tilespmem:s2], [sflag:$0x1] =	stream.indirect_vreg.gather [hbm4b:s5+s18], $0x80, v5, vm0, $0xb8;
	[tilespmem:$0x19500] =	vst v63  }
0xaf: {  	s19 =	sor.u32 $0x1B0, s19  }
0xb0: {  	[tilespmem:s10], [sflag:$0x1] =	stream.indirect_vreg.gather [hbm4b:s5+s18], $0x80, v4, vm0, $0xb8;
	[tilespmem:$0x19500] =	vst v63  }
0xb1: {  	v4 =	vld.msk [tilespmem:s19+$0x0], $0xff;
	_ =	sdelay $0x4  }
0xb2: {  	v5 =	vshll.u32 v4, $0x1  }
0xb3: {  	v4 =	vand.u32 $0x7, v4;
	v5 =	vand.u32 $0xFFFFFFF0, v5  }
0xb4: {  	v4 =	vor.u32 v4, v5  }
0xb5: {  	v4 =	vperm.xlane v4, v0;
	_ =	sdelay $0x1  }
0xb6: {  	v4 =	vadd.s32 v1, v4;
	_ =	sdelay $0x4  }
0xb7: {  	[tilespmem:s11], [sflag:$0x1] =	stream.indirect_vreg.gather [hbm4b:s5+s18], $0x80, v4, vm0, $0xb8;
	[tilespmem:$0x19500] =	vst v63  }
0xb8: {  	_ =	swait.ge [sflag:s12], $0x3800  }
0xb9: {  	[sflag:s12] =	ssyncset.done $0x0  }
0xba: {  	[sflag:s12] =	ssyncadd.s32 $0xFFFFC800  }
0xbb: {  	_ =	swait.ge [sflag:s12], $0x3800  }
0xbc: {  	[sflag:s12] =	ssyncset.done $0x0  }
0xbd: {  	[sflag:s12] =	ssyncadd.s32 $0xFFFFC800  }
0xbe: {  	_ =	swait.ge [sflag:s12], $0x3800  }
0xbf: {  	[sflag:s12] =	ssyncset.done $0x0  }
0xc0: {  	[sflag:s12] =	ssyncadd.s32 $0xFFFFC800  }
0xc1: {  	_ =	swait.ge [sflag:s12], $0x3800  }
0xc2: {  	[sflag:s12] =	ssyncset.done $0x0  }
0xc3: {  	s19 =	simm.s32 $0x6980;
	[sflag:s12] =	ssyncadd.s32 $0xFFFFC800  }
0xc4: {  	s24 =	sand.u32 $0x3800, s18;
	s21 =	sand.u32 $0x380, s18;
	v4 =	vld [tilespmem:s19+$0xFFFFCF00]  }
0xc5: {  	s20 =	sor.u32 s21, s24;
	v7 =	vld [tilespmem:s19+$0xFFFFB680]  }
0xc6: {  	v8 =	vld [tilespmem:s20+$0x8400]  }
0xc7: {  	v9 =	vld [tilespmem:s20+$0xBC00]  }
0xc8: {  	v5 =	vld [tilespmem:s19+$0xFFFFE780]  }
0xc9: {  	v10 =	vld [tilespmem:s20+$0xF400]  }
0xca: {  	v6 =	vld [tilespmem:s19+$0x0]  }
0xcb: {  	v11 =	vld [tilespmem:s20+$0x12C00]  }
0xcc: {  	v8 =	vmul.f32 v8, v7;
	v9 =	vmul.f32 v9, v4;
	_ =	sdelay $0x1  }
0xcd: {  	v10 =	vmul.f32 v10, v5;
	v8 =	vadd.f32 v9, v8  }
0xce: {  	v9 =	vadd.s32 s18, v3  }
0xcf: {  	v11 =	vmul.f32 v11, v6;
	v8 =	vadd.f32 v10, v8;
	_ =	sdelay $0x1  }
0xd0: {  	v8 =	vadd.f32 v11, v8;
	_ =	sdelay $0x1  }
0xd1: {  	[tilespmem:v9+s13+$0x0] =	vst.idx.msk $0xffff, v8  }
0xd2: {  	v8 =	vld [tilespmem:s20+$0x8410]  }
0xd3: {  	v9 =	vld [tilespmem:s20+$0xBC10];
	_ =	sdelay $0x1  }
0xd4: {  	v10 =	vld [tilespmem:s20+$0xF410]  }
0xd5: {  	s21 =	sadd.s32 $0x12C00, s20  }
0xd6: {  	v11 =	vld [tilespmem:s21+$0x10]  }
0xd7: {  	v8 =	vmul.f32 v8, v7;
	v9 =	vmul.f32 v9, v4;
	_ =	sdelay $0x1  }
0xd8: {  	s22 =	simm.s32 $0x310;
	v10 =	vmul.f32 v10, v5;
	v8 =	vadd.f32 v9, v8  }
0xd9: {  	v9 =	vadd.s32 s22, v3  }
0xda: {  	v8 =	vadd.f32 v10, v8;
	v10 =	vmul.f32 v11, v6;
	_ =	sdelay $0x1  }
0xdb: {  	v8 =	vadd.f32 v10, v8;
	_ =	sdelay $0x1  }
0xdc: {  	[tilespmem:v9+s13+$0x0] =	vst.idx.msk $0xffff, v8  }
0xdd: {  	v8 =	vld [tilespmem:s20+$0x8420]  }
0xde: {  	v9 =	vld [tilespmem:s20+$0xBC20];
	_ =	sdelay $0x1  }
0xdf: {  	v10 =	vld [tilespmem:s20+$0xF420];
	_ =	sdelay $0x1  }
0xe0: {  	v11 =	vld [tilespmem:s21+$0x20]  }
0xe1: {  	v8 =	vmul.f32 v8, v7;
	v9 =	vmul.f32 v9, v4;
	_ =	sdelay $0x1  }
0xe2: {  	s25 =	simm.s32 $0x620;
	v8 =	vadd.f32 v9, v8;
	v9 =	vmul.f32 v10, v5  }
0xe3: {  	v10 =	vadd.s32 s25, v3  }
0xe4: {  	v8 =	vadd.f32 v9, v8;
	v9 =	vmul.f32 v11, v6;
	_ =	sdelay $0x1  }
0xe5: {  	v8 =	vadd.f32 v9, v8;
	_ =	sdelay $0x1  }
0xe6: {  	[tilespmem:v10+s13+$0x0] =	vst.idx.msk $0xffff, v8  }
0xe7: {  	v8 =	vld [tilespmem:s20+$0x8430]  }
0xe8: {  	v9 =	vld [tilespmem:s20+$0xBC30];
	_ =	sdelay $0x1  }
0xe9: {  	v10 =	vld [tilespmem:s20+$0xF430];
	_ =	sdelay $0x1  }
0xea: {  	v11 =	vld [tilespmem:s21+$0x30]  }
0xeb: {  	v8 =	vmul.f32 v8, v7;
	v9 =	vmul.f32 v9, v4;
	_ =	sdelay $0x1  }
0xec: {  	s23 =	simm.s32 $0x930;
	v8 =	vadd.f32 v9, v8;
	v9 =	vmul.f32 v10, v5  }
0xed: {  	v10 =	vadd.s32 s23, v3  }
0xee: {  	v8 =	vadd.f32 v9, v8;
	v9 =	vmul.f32 v11, v6;
	_ =	sdelay $0x1  }
0xef: {  	v8 =	vadd.f32 v9, v8;
	_ =	sdelay $0x1  }
0xf0: {  	[tilespmem:v10+s13+$0x0] =	vst.idx.msk $0xffff, v8  }
0xf1: {  	v8 =	vld [tilespmem:s20+$0x8440]  }
0xf2: {  	v9 =	vld [tilespmem:s20+$0xBC40];
	_ =	sdelay $0x1  }
0xf3: {  	v10 =	vld [tilespmem:s20+$0xF440];
	_ =	sdelay $0x1  }
0xf4: {  	v11 =	vld [tilespmem:s21+$0x40]  }
0xf5: {  	v8 =	vmul.f32 v8, v7;
	v9 =	vmul.f32 v9, v4;
	_ =	sdelay $0x1  }
0xf6: {  	s24 =	simm.s32 $0xC40;
	v10 =	vmul.f32 v10, v5;
	v8 =	vadd.f32 v9, v8  }
0xf7: {  	v9 =	vadd.s32 s24, v3  }
0xf8: {  	v11 =	vmul.f32 v11, v6;
	v8 =	vadd.f32 v10, v8;
	_ =	sdelay $0x1  }
0xf9: {  	v8 =	vadd.f32 v11, v8;
	_ =	sdelay $0x1  }
0xfa: {  	[tilespmem:v9+s13+$0x0] =	vst.idx.msk $0xffff, v8  }
0xfb: {  	v8 =	vld [tilespmem:s20+$0x8450]  }
0xfc: {  	v9 =	vld [tilespmem:s20+$0xBC50];
	_ =	sdelay $0x1  }
0xfd: {  	v10 =	vld [tilespmem:s20+$0xF450];
	_ =	sdelay $0x1  }
0xfe: {  	v11 =	vld [tilespmem:s21+$0x50]  }
0xff: {  	v8 =	vmul.f32 v8, v7;
	v9 =	vmul.f32 v9, v4;
	_ =	sdelay $0x1  }
0x100: {  	s25 =	simm.s32 $0xF50;
	v10 =	vmul.f32 v10, v5;
	v8 =	vadd.f32 v9, v8  }
0x101: {  	v9 =	vadd.s32 s25, v3  }
0x102: {  	v11 =	vmul.f32 v11, v6;
	v8 =	vadd.f32 v10, v8;
	_ =	sdelay $0x1  }
0x103: {  	v8 =	vadd.f32 v11, v8;
	_ =	sdelay $0x1  }
0x104: {  	[tilespmem:v9+s13+$0x0] =	vst.idx.msk $0xffff, v8  }
0x105: {  	v8 =	vld [tilespmem:s20+$0x8460]  }
0x106: {  	v9 =	vld [tilespmem:s20+$0xBC60];
	_ =	sdelay $0x1  }
0x107: {  	v10 =	vld [tilespmem:s20+$0xF460];
	_ =	sdelay $0x1  }
0x108: {  	v11 =	vld [tilespmem:s21+$0x60]  }
0x109: {  	v8 =	vmul.f32 v8, v7;
	v9 =	vmul.f32 v9, v4;
	_ =	sdelay $0x1  }
0x10a: {  	s23 =	simm.s32 $0x1260;
	v10 =	vmul.f32 v10, v5;
	v8 =	vadd.f32 v9, v8  }
0x10b: {  	v9 =	vadd.s32 s23, v3  }
0x10c: {  	v11 =	vmul.f32 v11, v6;
	v8 =	vadd.f32 v10, v8;
	_ =	sdelay $0x1  }
0x10d: {  	v8 =	vadd.f32 v11, v8;
	_ =	sdelay $0x1  }
0x10e: {  	[tilespmem:v9+s13+$0x0] =	vst.idx.msk $0xffff, v8  }
0x10f: {  	v8 =	vld [tilespmem:s20+$0x8470]  }
0x110: {  	v9 =	vld [tilespmem:s20+$0xBC70];
	_ =	sdelay $0x1  }
0x111: {  	v10 =	vld [tilespmem:s20+$0xF470];
	_ =	sdelay $0x1  }
0x112: {  	v11 =	vld [tilespmem:s21+$0x70]  }
0x113: {  	v8 =	vmul.f32 v8, v7;
	v9 =	vmul.f32 v9, v4;
	_ =	sdelay $0x1  }
0x114: {  	s24 =	simm.s32 $0x1570;
	v10 =	vmul.f32 v10, v5;
	v8 =	vadd.f32 v9, v8  }
0x115: {  	v9 =	vadd.s32 s24, v3  }
0x116: {  	v11 =	vmul.f32 v11, v6;
	v8 =	vadd.f32 v10, v8;
	_ =	sdelay $0x1  }
0x117: {  	v8 =	vadd.f32 v11, v8;
	_ =	sdelay $0x1  }
0x118: {  	[tilespmem:v9+s13+$0x0] =	vst.idx.msk $0xffff, v8  }
0x119: {  	v8 =	vld [tilespmem:s20+$0x8800]  }
0x11a: {  	v9 =	vld [tilespmem:s20+$0xC000];
	_ =	sdelay $0x1  }
0x11b: {  	v10 =	vld [tilespmem:s20+$0xF800];
	_ =	sdelay $0x1  }
0x11c: {  	v11 =	vld [tilespmem:s20+$0x13000]  }
0x11d: {  	v8 =	vmul.f32 v8, v7;
	v9 =	vmul.f32 v9, v4;
	_ =	sdelay $0x1  }
0x11e: {  	s25 =	simm.s32 $0x1880;
	v10 =	vmul.f32 v10, v5;
	v8 =	vadd.f32 v9, v8  }
0x11f: {  	v9 =	vadd.s32 s25, v3  }
0x120: {  	v11 =	vmul.f32 v11, v6;
	v8 =	vadd.f32 v10, v8;
	_ =	sdelay $0x1  }
0x121: {  	v8 =	vadd.f32 v11, v8;
	_ =	sdelay $0x1  }
0x122: {  	[tilespmem:v9+s13+$0x0] =	vst.idx.msk $0xffff, v8  }
0x123: {  	v8 =	vld [tilespmem:s20+$0x8810]  }
0x124: {  	v9 =	vld [tilespmem:s20+$0xC010];
	_ =	sdelay $0x1  }
0x125: {  	v10 =	vld [tilespmem:s20+$0xF810]  }
0x126: {  	s24 =	sadd.s32 $0x13000, s20  }
0x127: {  	v11 =	vld [tilespmem:s24+$0x10]  }
0x128: {  	v8 =	vmul.f32 v8, v7;
	v9 =	vmul.f32 v9, v4;
	_ =	sdelay $0x1  }
0x129: {  	s22 =	simm.s32 $0x1B90;
	v10 =	vmul.f32 v10, v5;
	v8 =	vadd.f32 v9, v8  }
0x12a: {  	v9 =	vadd.s32 s22, v3  }
0x12b: {  	v11 =	vmul.f32 v11, v6;
	v8 =	vadd.f32 v10, v8;
	_ =	sdelay $0x1  }
0x12c: {  	v8 =	vadd.f32 v11, v8;
	_ =	sdelay $0x1  }
0x12d: {  	[tilespmem:v9+s13+$0x0] =	vst.idx.msk $0xffff, v8  }
0x12e: {  	v8 =	vld [tilespmem:s20+$0x8820]  }
0x12f: {  	v9 =	vld [tilespmem:s20+$0xC020];
	_ =	sdelay $0x1  }
0x130: {  	v10 =	vld [tilespmem:s20+$0xF820];
	_ =	sdelay $0x1  }
0x131: {  	v11 =	vld [tilespmem:s24+$0x20]  }
0x132: {  	v8 =	vmul.f32 v8, v7;
	v9 =	vmul.f32 v9, v4;
	_ =	sdelay $0x1  }
0x133: {  	s23 =	simm.s32 $0x1EA0;
	v10 =	vmul.f32 v10, v5;
	v8 =	vadd.f32 v9, v8  }
0x134: {  	v9 =	vadd.s32 s23, v3  }
0x135: {  	v11 =	vmul.f32 v11, v6;
	v8 =	vadd.f32 v10, v8;
	_ =	sdelay $0x1  }
0x136: {  	v8 =	vadd.f32 v11, v8;
	_ =	sdelay $0x1  }
0x137: {  	[tilespmem:v9+s13+$0x0] =	vst.idx.msk $0xffff, v8  }
0x138: {  	v8 =	vld [tilespmem:s20+$0xC030]  }
0x139: {  	v9 =	vld [tilespmem:s20+$0x8830];
	_ =	sdelay $0x1  }
0x13a: {  	v10 =	vld [tilespmem:s20+$0xF830];
	_ =	sdelay $0x1  }
0x13b: {  	v11 =	vld [tilespmem:s24+$0x30]  }
0x13c: {  	v8 =	vmul.f32 v8, v4;
	v9 =	vmul.f32 v9, v7;
	_ =	sdelay $0x1  }
0x13d: {  	s25 =	simm.s32 $0x21B0;
	v10 =	vmul.f32 v10, v5;
	v8 =	vadd.f32 v8, v9  }
0x13e: {  	v9 =	vadd.s32 s25, v3  }
0x13f: {  	v11 =	vmul.f32 v11, v6;
	v8 =	vadd.f32 v10, v8;
	_ =	sdelay $0x1  }
0x140: {  	v8 =	vadd.f32 v11, v8;
	_ =	sdelay $0x1  }
0x141: {  	[tilespmem:v9+s13+$0x0] =	vst.idx.msk $0xffff, v8  }
0x142: {  	v8 =	vld [tilespmem:s20+$0x8840]  }
0x143: {  	v9 =	vld [tilespmem:s20+$0xC040];
	_ =	sdelay $0x1  }
0x144: {  	v10 =	vld [tilespmem:s20+$0xF840];
	_ =	sdelay $0x1  }
0x145: {  	v11 =	vld [tilespmem:s24+$0x40]  }
0x146: {  	v8 =	vmul.f32 v8, v7;
	v9 =	vmul.f32 v9, v4;
	_ =	sdelay $0x1  }
0x147: {  	s22 =	simm.s32 $0x24C0;
	v10 =	vmul.f32 v10, v5;
	v8 =	vadd.f32 v9, v8  }
0x148: {  	v9 =	vadd.s32 s22, v3  }
0x149: {  	v11 =	vmul.f32 v11, v6;
	v8 =	vadd.f32 v10, v8;
	_ =	sdelay $0x1  }
0x14a: {  	v8 =	vadd.f32 v11, v8;
	_ =	sdelay $0x1  }
0x14b: {  	[tilespmem:v9+s13+$0x0] =	vst.idx.msk $0xffff, v8  }
0x14c: {  	v8 =	vld [tilespmem:s20+$0x8850]  }
0x14d: {  	v9 =	vld [tilespmem:s20+$0xC050];
	_ =	sdelay $0x1  }
0x14e: {  	v10 =	vld [tilespmem:s20+$0xF850];
	_ =	sdelay $0x1  }
0x14f: {  	v11 =	vld [tilespmem:s24+$0x50]  }
0x150: {  	v8 =	vmul.f32 v8, v7;
	v9 =	vmul.f32 v9, v4;
	_ =	sdelay $0x1  }
0x151: {  	s23 =	simm.s32 $0x27D0;
	v10 =	vmul.f32 v10, v5;
	v8 =	vadd.f32 v9, v8  }
0x152: {  	v9 =	vadd.s32 s23, v3  }
0x153: {  	v11 =	vmul.f32 v11, v6;
	v8 =	vadd.f32 v10, v8;
	_ =	sdelay $0x1  }
0x154: {  	v8 =	vadd.f32 v11, v8;
	_ =	sdelay $0x1  }
0x155: {  	[tilespmem:v9+s13+$0x0] =	vst.idx.msk $0xffff, v8  }
0x156: {  	v8 =	vld [tilespmem:s20+$0x8860]  }
0x157: {  	v9 =	vld [tilespmem:s20+$0xC060];
	_ =	sdelay $0x1  }
0x158: {  	v10 =	vld [tilespmem:s20+$0xF860];
	_ =	sdelay $0x1  }
0x159: {  	v11 =	vld [tilespmem:s24+$0x60]  }
0x15a: {  	v8 =	vmul.f32 v8, v7;
	v9 =	vmul.f32 v9, v4;
	_ =	sdelay $0x1  }
0x15b: {  	s25 =	simm.s32 $0x2AE0;
	v10 =	vmul.f32 v10, v5;
	v12 =	vadd.f32 v9, v8  }
0x15c: {  	v8 =	vadd.s32 s25, v3  }
0x15d: {  	s21 =	simm.s32 $0x0;
	s22 =	simm.s32 $0x1;
	s23 =	simm.s32 $0x0;
	v9 =	vmul.f32 v11, v6;
	v10 =	vadd.f32 v10, v12  }
.LBB2_3:
0x15e: {  	s18 =	sadd.s32 $0x80, s18;
	s23 =	sadd.s32 $0x100, s23;
	s19 =	sadd.s32 $0x80, s19  }
0x15f: {  	p0 =	sne.s32 s22, $0x30;
	s25 =	smov.u32 s22;
	s22 =	sadd.s32 $0x1, s22;
	v9 =	vadd.f32 v9, v10  }
0x160: {  	_ = 	snop  }
0x161: {  	[tilespmem:v8+s13+$0x0] =	vst.idx.msk $0xffff, v9  }
0x162: {  	v8 =	vld [tilespmem:s20+$0x8870]  }
0x163: {  	v9 =	vld [tilespmem:s20+$0xC070]  }
0x164: {  	v10 =	vld [tilespmem:s20+$0xF870]  }
0x165: {  	v11 =	vld [tilespmem:s24+$0x70];
	_ =	sdelay $0x1  }
0x166: {  	v7 =	vmul.f32 v8, v7  }
0x167: {  	v4 =	vmul.f32 v9, v4  }
0x168: {  	s20 =	sadd.s32 $0x2DF0, s21;
	s21 =	smov.u32 s25;
	v5 =	vmul.f32 v10, v5  }
0x169: {  	v4 =	vadd.f32 v4, v7;
	v6 =	vmul.f32 v11, v6;
	v7 =	vadd.s32 s20, v3;
	_ =	sdelay $0x1  }
0x16a: {  	v4 =	vadd.f32 v5, v4;
	_ =	sdelay $0x1  }
0x16b: {  	v4 =	vadd.f32 v6, v4;
	_ =	sdelay $0x1  }
0x16c: {  	[tilespmem:v7+s13+$0x0] =	vst.idx.msk $0xffff, v4  }
0x16d: {  	v5 =	vld [tilespmem:s19+$0xFFFFE780]  }
0x16e: {  	s24 =	sand.u32 $0x380, s18;
	s20 =	sand.u32 $0x3800, s23;
	v4 =	vld [tilespmem:s19+$0xFFFFCF00]  }
0x16f: {  	s20 =	sor.u32 s24, s20;
	v7 =	vld [tilespmem:s19+$0xFFFFB680]  }
0x170: {  	v8 =	vld [tilespmem:s20+$0x8400]  }
0x171: {  	v9 =	vld [tilespmem:s20+$0xBC00]  }
0x172: {  	v10 =	vld [tilespmem:s20+$0xF400]  }
0x173: {  	v6 =	vld [tilespmem:s19+$0x0]  }
0x174: {  	v11 =	vld [tilespmem:s20+$0x12C00]  }
0x175: {  	v8 =	vmul.f32 v8, v7  }
0x176: {  	v9 =	vmul.f32 v9, v4  }
0x177: {  	v10 =	vmul.f32 v10, v5  }
0x178: {  	v8 =	vadd.f32 v9, v8;
	v9 =	vadd.s32 s21, v3  }
0x179: {  	v11 =	vmul.f32 v11, v6  }
0x17a: {  	v8 =	vadd.f32 v10, v8;
	_ =	sdelay $0x1  }
0x17b: {  	v8 =	vadd.f32 v11, v8;
	_ =	sdelay $0x1  }
0x17c: {  	[tilespmem:v9+s13+$0x0] =	vst.idx.msk $0xffff, v8  }
0x17d: {  	v8 =	vld [tilespmem:s20+$0xF410]  }
0x17e: {  	v9 =	vld [tilespmem:s20+$0x8410]  }
0x17f: {  	v10 =	vld [tilespmem:s20+$0xBC10];
	_ =	sdelay $0x2  }
0x180: {  	s24 =	sadd.s32 $0x12C00, s20  }
0x181: {  	v8 =	vmul.f32 v8, v5;
	v11 =	vld [tilespmem:s24+$0x10]  }
0x182: {  	v9 =	vmul.f32 v9, v7;
	v10 =	vmul.f32 v10, v4;
	_ =	sdelay $0x1  }
0x183: {  	s25 =	sadd.s32 $0x310, s21;
	v9 =	vadd.f32 v10, v9  }
0x184: {  	v10 =	vadd.s32 s25, v3  }
0x185: {  	v8 =	vadd.f32 v8, v9;
	v9 =	vmul.f32 v11, v6;
	_ =	sdelay $0x1  }
0x186: {  	v8 =	vadd.f32 v9, v8;
	_ =	sdelay $0x1  }
0x187: {  	[tilespmem:v10+s13+$0x0] =	vst.idx.msk $0xffff, v8  }
0x188: {  	v8 =	vld [tilespmem:s20+$0x8420]  }
0x189: {  	v9 =	vld [tilespmem:s20+$0xBC20];
	_ =	sdelay $0x1  }
0x18a: {  	v10 =	vld [tilespmem:s20+$0xF420];
	_ =	sdelay $0x1  }
0x18b: {  	v11 =	vld [tilespmem:s24+$0x20]  }
0x18c: {  	v8 =	vmul.f32 v8, v7;
	v9 =	vmul.f32 v9, v4;
	_ =	sdelay $0x1  }
0x18d: {  	s25 =	sadd.s32 $0x620, s21;
	v8 =	vadd.f32 v9, v8;
	v9 =	vmul.f32 v10, v5  }
0x18e: {  	v10 =	vadd.s32 s25, v3  }
0x18f: {  	v8 =	vadd.f32 v9, v8;
	v9 =	vmul.f32 v11, v6;
	_ =	sdelay $0x1  }
0x190: {  	v8 =	vadd.f32 v9, v8;
	_ =	sdelay $0x1  }
0x191: {  	[tilespmem:v10+s13+$0x0] =	vst.idx.msk $0xffff, v8  }
0x192: {  	v8 =	vld [tilespmem:s20+$0x8430]  }
0x193: {  	v9 =	vld [tilespmem:s20+$0xBC30]  }
0x194: {  	v10 =	vld [tilespmem:s20+$0xF430]  }
0x195: {  	v11 =	vld [tilespmem:s24+$0x30];
	_ =	sdelay $0x2  }
0x196: {  	v8 =	vmul.f32 v8, v7;
	v9 =	vmul.f32 v9, v4;
	_ =	sdelay $0x1  }
0x197: {  	s25 =	sadd.s32 $0x930, s21;
	v8 =	vadd.f32 v9, v8;
	v9 =	vmul.f32 v10, v5  }
0x198: {  	v10 =	vadd.s32 s25, v3  }
0x199: {  	v8 =	vadd.f32 v9, v8;
	v9 =	vmul.f32 v11, v6;
	_ =	sdelay $0x1  }
0x19a: {  	v8 =	vadd.f32 v9, v8;
	_ =	sdelay $0x1  }
0x19b: {  	[tilespmem:v10+s13+$0x0] =	vst.idx.msk $0xffff, v8  }
0x19c: {  	v8 =	vld [tilespmem:s20+$0x8440]  }
0x19d: {  	v9 =	vld [tilespmem:s20+$0xBC40]  }
0x19e: {  	s25 =	sadd.s32 $0xC40, s21;
	v10 =	vld [tilespmem:s20+$0xF440]  }
0x19f: {  	v12 =	vadd.s32 s25, v3;
	v11 =	vld [tilespmem:s24+$0x40];
	_ =	sdelay $0x1  }
0x1a0: {  	v8 =	vmul.f32 v8, v7  }
0x1a1: {  	v9 =	vmul.f32 v9, v4  }
0x1a2: {  	v10 =	vmul.f32 v10, v5  }
0x1a3: {  	v8 =	vadd.f32 v9, v8  }
0x1a4: {  	v9 =	vmul.f32 v11, v6  }
0x1a5: {  	v8 =	vadd.f32 v10, v8;
	_ =	sdelay $0x1  }
0x1a6: {  	v8 =	vadd.f32 v9, v8;
	_ =	sdelay $0x1  }
0x1a7: {  	[tilespmem:v12+s13+$0x0] =	vst.idx.msk $0xffff, v8  }
0x1a8: {  	v8 =	vld [tilespmem:s24+$0x50]  }
0x1a9: {  	v9 =	vld [tilespmem:s20+$0x8450]  }
0x1aa: {  	v10 =	vld [tilespmem:s20+$0xBC50]  }
0x1ab: {  	v11 =	vld [tilespmem:s20+$0xF450];
	_ =	sdelay $0x1  }
0x1ac: {  	v8 =	vmul.f32 v8, v6  }
0x1ad: {  	v9 =	vmul.f32 v9, v7  }
0x1ae: {  	v10 =	vmul.f32 v10, v4  }
0x1af: {  	v11 =	vmul.f32 v11, v5  }
0x1b0: {  	s25 =	sadd.s32 $0xF50, s21;
	v9 =	vadd.f32 v10, v9  }
0x1b1: {  	v10 =	vadd.s32 s25, v3  }
0x1b2: {  	v9 =	vadd.f32 v11, v9;
	_ =	sdelay $0x1  }
0x1b3: {  	v8 =	vadd.f32 v8, v9;
	_ =	sdelay $0x1  }
0x1b4: {  	[tilespmem:v10+s13+$0x0] =	vst.idx.msk $0xffff, v8  }
0x1b5: {  	v8 =	vld [tilespmem:s20+$0x8460]  }
0x1b6: {  	v9 =	vld [tilespmem:s20+$0xBC60]  }
0x1b7: {  	v10 =	vld [tilespmem:s20+$0xF460]  }
0x1b8: {  	v11 =	vld [tilespmem:s24+$0x60];
	_ =	sdelay $0x1  }
0x1b9: {  	v8 =	vmul.f32 v8, v7  }
0x1ba: {  	v9 =	vmul.f32 v9, v4  }
0x1bb: {  	v10 =	vmul.f32 v10, v5  }
0x1bc: {  	s25 =	sadd.s32 $0x1260, s21;
	v8 =	vadd.f32 v9, v8;
	v9 =	vmul.f32 v11, v6  }
0x1bd: {  	v11 =	vadd.s32 s25, v3  }
0x1be: {  	v8 =	vadd.f32 v10, v8;
	_ =	sdelay $0x1  }
0x1bf: {  	v8 =	vadd.f32 v9, v8;
	_ =	sdelay $0x1  }
0x1c0: {  	[tilespmem:v11+s13+$0x0] =	vst.idx.msk $0xffff, v8  }
0x1c1: {  	v8 =	vld [tilespmem:s20+$0x8470]  }
0x1c2: {  	v9 =	vld [tilespmem:s20+$0xBC70]  }
0x1c3: {  	v10 =	vld [tilespmem:s20+$0xF470]  }
0x1c4: {  	v11 =	vld [tilespmem:s24+$0x70];
	_ =	sdelay $0x1  }
0x1c5: {  	v8 =	vmul.f32 v8, v7  }
0x1c6: {  	v9 =	vmul.f32 v9, v4  }
0x1c7: {  	v10 =	vmul.f32 v10, v5  }
0x1c8: {  	s24 =	sadd.s32 $0x1570, s21;
	v8 =	vadd.f32 v9, v8;
	v9 =	vmul.f32 v11, v6  }
0x1c9: {  	v11 =	vadd.s32 s24, v3  }
0x1ca: {  	v8 =	vadd.f32 v10, v8;
	_ =	sdelay $0x1  }
0x1cb: {  	v8 =	vadd.f32 v9, v8;
	_ =	sdelay $0x1  }
0x1cc: {  	[tilespmem:v11+s13+$0x0] =	vst.idx.msk $0xffff, v8  }
0x1cd: {  	v8 =	vld [tilespmem:s20+$0x8800]  }
0x1ce: {  	v9 =	vld [tilespmem:s20+$0xC000]  }
0x1cf: {  	v10 =	vld [tilespmem:s20+$0xF800]  }
0x1d0: {  	v11 =	vld [tilespmem:s20+$0x13000];
	_ =	sdelay $0x1  }
0x1d1: {  	v8 =	vmul.f32 v8, v7  }
0x1d2: {  	v9 =	vmul.f32 v9, v4  }
0x1d3: {  	v10 =	vmul.f32 v10, v5  }
0x1d4: {  	s24 =	sadd.s32 $0x1880, s21;
	v8 =	vadd.f32 v9, v8;
	v9 =	vmul.f32 v11, v6  }
0x1d5: {  	v11 =	vadd.s32 s24, v3  }
0x1d6: {  	v8 =	vadd.f32 v10, v8;
	_ =	sdelay $0x1  }
0x1d7: {  	v8 =	vadd.f32 v9, v8;
	_ =	sdelay $0x1  }
0x1d8: {  	[tilespmem:v11+s13+$0x0] =	vst.idx.msk $0xffff, v8  }
0x1d9: {  	v8 =	vld [tilespmem:s20+$0x8810]  }
0x1da: {  	v9 =	vld [tilespmem:s20+$0xC010]  }
0x1db: {  	s24 =	sadd.s32 $0x13000, s20;
	v10 =	vld [tilespmem:s20+$0xF810]  }
0x1dc: {  	v11 =	vld [tilespmem:s24+$0x10];
	_ =	sdelay $0x1  }
0x1dd: {  	v8 =	vmul.f32 v8, v7  }
0x1de: {  	v9 =	vmul.f32 v9, v4  }
0x1df: {  	v10 =	vmul.f32 v10, v5  }
0x1e0: {  	s25 =	sadd.s32 $0x1B90, s21;
	v8 =	vadd.f32 v9, v8;
	v9 =	vmul.f32 v11, v6  }
0x1e1: {  	v11 =	vadd.s32 s25, v3  }
0x1e2: {  	v8 =	vadd.f32 v10, v8;
	_ =	sdelay $0x1  }
0x1e3: {  	v8 =	vadd.f32 v9, v8;
	_ =	sdelay $0x1  }
0x1e4: {  	[tilespmem:v11+s13+$0x0] =	vst.idx.msk $0xffff, v8  }
0x1e5: {  	v8 =	vld [tilespmem:s20+$0x8820]  }
0x1e6: {  	v9 =	vld [tilespmem:s20+$0xC020]  }
0x1e7: {  	v10 =	vld [tilespmem:s20+$0xF820]  }
0x1e8: {  	v11 =	vld [tilespmem:s24+$0x20];
	_ =	sdelay $0x1  }
0x1e9: {  	v8 =	vmul.f32 v8, v7  }
0x1ea: {  	v9 =	vmul.f32 v9, v4  }
0x1eb: {  	v10 =	vmul.f32 v10, v5  }
0x1ec: {  	s25 =	sadd.s32 $0x1EA0, s21;
	v8 =	vadd.f32 v9, v8;
	v9 =	vmul.f32 v11, v6  }
0x1ed: {  	v11 =	vadd.s32 s25, v3  }
0x1ee: {  	v8 =	vadd.f32 v10, v8;
	_ =	sdelay $0x1  }
0x1ef: {  	v8 =	vadd.f32 v9, v8;
	_ =	sdelay $0x1  }
0x1f0: {  	[tilespmem:v11+s13+$0x0] =	vst.idx.msk $0xffff, v8  }
0x1f1: {  	v8 =	vld [tilespmem:s20+$0xC030]  }
0x1f2: {  	v9 =	vld [tilespmem:s20+$0x8830]  }
0x1f3: {  	v10 =	vld [tilespmem:s20+$0xF830]  }
0x1f4: {  	v11 =	vld [tilespmem:s24+$0x30];
	_ =	sdelay $0x1  }
0x1f5: {  	v8 =	vmul.f32 v8, v4  }
0x1f6: {  	v9 =	vmul.f32 v9, v7  }
0x1f7: {  	v10 =	vmul.f32 v10, v5  }
0x1f8: {  	s25 =	sadd.s32 $0x21B0, s21;
	v8 =	vadd.f32 v8, v9;
	v9 =	vmul.f32 v11, v6  }
0x1f9: {  	v11 =	vadd.s32 s25, v3  }
0x1fa: {  	v8 =	vadd.f32 v10, v8;
	_ =	sdelay $0x1  }
0x1fb: {  	v8 =	vadd.f32 v9, v8;
	_ =	sdelay $0x1  }
0x1fc: {  	[tilespmem:v11+s13+$0x0] =	vst.idx.msk $0xffff, v8  }
0x1fd: {  	v8 =	vld [tilespmem:s20+$0x8840]  }
0x1fe: {  	v9 =	vld [tilespmem:s20+$0xC040]  }
0x1ff: {  	v10 =	vld [tilespmem:s20+$0xF840]  }
0x200: {  	v11 =	vld [tilespmem:s24+$0x40];
	_ =	sdelay $0x1  }
0x201: {  	v8 =	vmul.f32 v8, v7  }
0x202: {  	v9 =	vmul.f32 v9, v4  }
0x203: {  	v10 =	vmul.f32 v10, v5  }
0x204: {  	s25 =	sadd.s32 $0x24C0, s21;
	v8 =	vadd.f32 v9, v8;
	v9 =	vmul.f32 v11, v6  }
0x205: {  	v11 =	vadd.s32 s25, v3  }
0x206: {  	v8 =	vadd.f32 v10, v8;
	_ =	sdelay $0x1  }
0x207: {  	v8 =	vadd.f32 v9, v8;
	_ =	sdelay $0x1  }
0x208: {  	[tilespmem:v11+s13+$0x0] =	vst.idx.msk $0xffff, v8  }
0x209: {  	v8 =	vld [tilespmem:s20+$0x8850]  }
0x20a: {  	v9 =	vld [tilespmem:s20+$0xC050]  }
0x20b: {  	v10 =	vld [tilespmem:s20+$0xF850]  }
0x20c: {  	v11 =	vld [tilespmem:s24+$0x50];
	_ =	sdelay $0x1  }
0x20d: {  	v8 =	vmul.f32 v8, v7  }
0x20e: {  	v9 =	vmul.f32 v9, v4  }
0x20f: {  	v10 =	vmul.f32 v10, v5  }
0x210: {  	s25 =	sadd.s32 $0x27D0, s21;
	v8 =	vadd.f32 v9, v8;
	v9 =	vmul.f32 v11, v6  }
0x211: {  	v11 =	vadd.s32 s25, v3  }
0x212: {  	v8 =	vadd.f32 v10, v8;
	_ =	sdelay $0x1  }
0x213: {  	v8 =	vadd.f32 v9, v8;
	_ =	sdelay $0x1  }
0x214: {  	[tilespmem:v11+s13+$0x0] =	vst.idx.msk $0xffff, v8  }
0x215: {  	v8 =	vld [tilespmem:s20+$0x8860]  }
0x216: {  	v9 =	vld [tilespmem:s20+$0xC060]  }
0x217: {  	v10 =	vld [tilespmem:s20+$0xF860]  }
0x218: {  	v11 =	vld [tilespmem:s24+$0x60];
	_ =	sdelay $0x1  }
0x219: {  	v8 =	vmul.f32 v8, v7  }
.Ltmp0:
0x21a: {  	v9 =	vmul.f32 v9, v4;
	(pc) =	sbr.rel @p0 .LBB2_3-.Ltmp0, $4  }
0x21b: {  	v10 =	vmul.f32 v10, v5  }
0x21c: {  	s25 =	sadd.s32 $0x2AE0, s21;
	v12 =	vadd.f32 v9, v8;
	v9 =	vmul.f32 v11, v6  }
0x21d: {  	v8 =	vadd.s32 s25, v3  }
0x21e: {  	v10 =	vadd.f32 v10, v12  }
0x21f: {  	_ =	sdelay $0x1  }
0x220: {  	v9 =	vadd.f32 v9, v10;
	_ =	sdelay $0x1  }
0x221: {  	[tilespmem:v8+s13+$0x0] =	vst.idx.msk $0xffff, v9  }
0x222: {  	v8 =	vld [tilespmem:s20+$0x8870]  }
0x223: {  	v9 =	vld [tilespmem:s20+$0xC070];
	_ =	sdelay $0x1  }
0x224: {  	v62 =	vld [tilespmem:s20+$0xF870];
	_ =	sdelay $0x1  }
0x225: {  	v11 =	vld [tilespmem:s24+$0x70]  }
0x226: {  	v7 =	vmul.f32 v8, v7;
	v4 =	vmul.f32 v9, v4;
	_ =	sdelay $0x1  }
0x227: {  	s18 =	sadd.s32 $0x2DF0, s21;
	v5 =	vmul.f32 v62, v5;
	v4 =	vadd.f32 v4, v7  }
0x228: {  	s17 =	sshrl.u32 s17, $0x3;
	v63 =	vadd.s32 s18, v3  }
0x229: {  	s17 =	smul.u32 $0x18800, s17;
	s24 =	sshll.u32 s16, $0x7;
	v6 =	vmul.f32 v11, v6;
	v4 =	vadd.f32 v5, v4  }
0x22a: {  	s18 =	sand.u32 $0x380, s24  }
0x22b: {  	s16 =	sadd.s32 $0x1, s16;
	s17 =	sor.u32 s18, s17;
	v4 =	vadd.f32 v6, v4  }
0x22c: {  	s25 =	rddreg [dreg:$0x1];
	p0 =	sne.s32 s16, $0x10;
	s17 =	sshrl.u32 s17, $0x3  }
.Ltmp1:
0x22d: {  	s17 =	sadd.s32 s25, s17;
	[tilespmem:v63+s13+$0x0] =	vst.idx.msk $0xffff, v4;
	(pc) =	sbr.rel @p0 .LBB2_2-.Ltmp1, $4  }
0x22e: {  	[hbm4b:s17+s14] =	stream.strided.scatter [tilespmem:s13], [sflag:$0x2], $0x3100, s15, s14, $0x38;
	[tilespmem:$0x19500] =	vst v63  }
0x22f: {  	_ =	swait.ge [sflag:s9], $0x3100  }
0x230: {  	[sflag:s9] =	ssyncset.done $0x0  }
0x231: {  	[sflag:s9] =	ssyncadd.s32 $0xFFFFCF00  }
0x232: {  	s17 =	rddreg [dreg:$0x5]  }
0x233: {  	s16 =	rddreg [dreg:$0x4];
	s17 =	sadd.s32 $0x1, s17  }
0x234: {  	p0 =	sne.s32 s17, s16  }
.Ltmp2:
0x235: {  	_ = 	snop;
	(pc) =	sbr.rel @p0 .LBB2_1-.Ltmp2, $1  }
0x236: {  	_ =	sdelay $0x3  }
0x237: {  	_ =	sfence.sel $0x180000  }
0x238: {  	[bflag:$0x0] =	sbarrier.arrive $0xFFFF  }
0x239: {  	_ =	strace $0x90000047  }
0x23a: {  	s0 =	stileid.u32;
	[bflag:$0x2] =	sbarrier.arrive $0xFFFF  }
0x23b: {  	p0 =	sne.s32 s0, $0x0;
	s0 =	rddreg [dreg:$0x2]  }
0x23c: {  	s0 =	sadd.s32 @!p0 $0x100000, s0  }
0x23d: {  	[sflag:s0] =	ssyncadd.tile.s32 @!p0 $0x1;
	_ =	shalt  }
.Lfunc_end2:
_tile_overlayer_lowered:
.L_overlay_start_2:
0x23e: {  	(tag) =	ssettag $0x2  }
0x23f: {  	s0 =	rddreg [dreg:$0x0];
	s2 =	stileid.u32  }
0x240: {  	s1 =	rddreg [dreg:$0x1];
	p0 =	sne.s32 s2, $0x0  }
0x241: {  	s3 =	rddreg [dreg:$0x2];
	[bflag:$0x3] =	sbarrier.arrive $0xFFFF;
	s2 =	simm.s32 @!p0 $0x1C02  }
0x242: {  	[timem:s3], [sflag:s2] =	dma.local @!p0 [hbm:s0], s1  }
0x243: {  	s0 =	simm.s32 @!p0 $0x2  }
0x244: {  	_ =	swait.ge @!p0 [sflag:s0], s1  }
0x245: {  	s1 =	ssub.s32 @!p0 $0x0, s1;
	[sflag:s0] =	ssyncset.done @!p0 $0x0  }
0x246: {  	[sflag:s0] =	ssyncadd.s32 @!p0 s1  }
0x247: {  	[bflag:$0x3] =	sbarrier.arrive $0xFFFF  }
0x248: {  	_ =	shalt  }

</sc_bundles>
